<compile_context>
chip_gen: v7x
topology: tpu7x:2x2x1
jax: 0.10.2.dev20260603
libtpu: 0.0.44.dev20260713+nightly
codegen_flags: <defaults>
</compile_context>

<pallas_src>
import functools

import jax
import jax.numpy as jnp
from jax import lax
from jax.experimental import pallas as pl
from jax.experimental.pallas import tpu as pltpu
from jax.experimental.pallas import tpu_sc as plsc

FEAT = 512
HID = 1024
PROJ = 128
BANK = 128000
B = 128
TOPK = 5
MOM = 0.99

CHUNK = 6400
NC = BANK // CHUNK
TILES = CHUNK // 128
GRP = 10


def _bn_relu(h, g, be):
    mu = jnp.mean(h, axis=0, keepdims=True)
    var = jnp.mean((h - mu) ** 2, axis=0, keepdims=True)
    h = g * (h - mu) / jnp.sqrt(var + 1e-5) + be
    return jnp.maximum(h, 0.0)


def _l2(x):
    n = jnp.sqrt(jnp.sum(x * x, axis=1, keepdims=True))
    return x / jnp.maximum(n, 1e-12)


def _matmul(a, b):
    return jax.lax.dot_general(a, b, (((1,), (0,)), ((), ())),
                               preferred_element_type=jnp.float32)


def _matmul_t(a, b):
    return jax.lax.dot_general(a, b, (((1,), (1,)), ((), ())),
                               preferred_element_type=jnp.float32)


def _body(imq, imt,
          qW1, qb1, qg, qbe, qW2, qb2,
          pW1, pb1, pg, pbe, pW2, pb2,
          tW1, tb1, tg, tbe, tW2, tb2,
          bank, bank2, loss_ref, cols_ref,
          q_s, ct_s, st0_s, sq0_s, m1, s1, t1):
    step = pl.program_id(0)

    @pl.when(step == 0)
    def _init():
        h = _matmul(imq[...], qW1[...]) + qb1[...]
        h = _bn_relu(h, qg[...], qbe[...])
        fq = _matmul(h, qW2[...]) + qb2[...]
        h2 = _matmul(fq, pW1[...]) + pb1[...]
        h2 = _bn_relu(h2, pg[...], pbe[...])
        q = _l2(_matmul(h2, pW2[...]) + pb2[...])
        q_s[...] = q

        ht = _matmul(imt[...], qW1[...]) + qb1[...]
        ht = _bn_relu(ht, qg[...], qbe[...])
        ct = _l2(_matmul(ht, qW2[...]) + qb2[...])
        ct_s[...] = ct

        st0_s[...] = _matmul_t(ct, ct)
        sq0_s[...] = _matmul_t(q, ct)

        m1[...] = jnp.full((B, 128), -jnp.inf, jnp.float32)
        zero = jnp.zeros((B, 128), jnp.float32)
        s1[...] = zero
        t1[...] = zero

    ct = ct_s[...].astype(jnp.bfloat16)
    q = q_s[...].astype(jnp.bfloat16)

    isfirst = step == 0
    stepf = step.astype(jnp.float32)
    cm1 = m1[...]
    cs1 = s1[...]
    ct1 = t1[...]

    def _merge(a, b):
        c = a[0] >= b[0]
        return (jnp.where(c, a[0], b[0]), jnp.where(c, a[1], b[1]),
                jnp.where(c, a[2], b[2]))

    for half, bref in ((0, bank), (1, bank2)):
        for base in range(0, TILES, GRP):
            blk_g = bref[base * 128:(base + GRP) * 128, :].astype(jnp.bfloat16)
            st = _matmul_t(ct, blk_g)
            sq = _matmul_t(q, blk_g)
            cands = []
            for t in range(base, base + GRP):
                o = t - base
                v = st[:, o * 128:(o + 1) * 128]
                sv = sq[:, o * 128:(o + 1) * 128]
                if half == 0 and t == 0:
                    v = jnp.where(isfirst, st0_s[...], v)
                    sv = jnp.where(isfirst, sq0_s[...], sv)
                tidf = (stepf + float(half * (NC // 2))) * TILES + float(t)
                cands.append((v, sv, tidf))
            while len(cands) > 1:
                nxt = [_merge(cands[i], cands[i + 1])
                       for i in range(0, len(cands) - 1, 2)]
                if len(cands) % 2:
                    nxt.append(cands[-1])
                cands = nxt
            v, sv, tid = cands[0]
            c1 = v > cm1
            cm1 = jnp.where(c1, v, cm1)
            cs1 = jnp.where(c1, sv, cs1)
            ct1 = jnp.where(c1, tid, ct1)
    m1[...] = cm1
    s1[...] = cs1
    t1[...] = ct1

    @pl.when(step == NC // 2 - 1)
    def _finish():
        V = m1[...]
        SQ = s1[...]
        res = jax.lax.broadcasted_iota(jnp.int32, (B, 128), 1).astype(jnp.float32)
        COL = t1[...] * 128.0 + res
        lane = res

        sq_acc = jnp.zeros((B, 1), jnp.float32)
        cols_k = []
        for _ in range(TOPK):
            m = jnp.max(V, axis=1, keepdims=True)
            eq = V == m
            l = jnp.min(jnp.where(eq, lane, 1e9), axis=1, keepdims=True)
            chose = lane == l
            sq_k = jnp.sum(jnp.where(chose, SQ, 0.0), axis=1, keepdims=True)
            col_k = jnp.sum(jnp.where(chose, COL, 0.0), axis=1, keepdims=True)
            V = jnp.where(chose, -jnp.inf, V)
            sq_acc = sq_acc + sq_k
            cols_k.append(col_k)

        denom = float(B * TOPK)
        ssum = jnp.sum(sq_acc, axis=0, keepdims=True)
        loss_ref[...] = 2.0 - 2.0 * ssum / denom
        pad = jnp.zeros((B, 1), jnp.float32)
        cols_ref[...] = jnp.concatenate(cols_k + [pad] * 3, axis=1)


@functools.partial(jax.jit, static_argnames=())
def kernel(im_q, im_t, labels, qW1, qb1, qg, qbe, qW2, qb2,
           pW1, pb1, pg, pbe, pW2, pb2,
           tW1, tb1, tg, tbe, tW2, tb2, queue, queue_labels):
    row = lambda x: x.reshape(1, -1)

    full = lambda shape: pl.BlockSpec(shape, lambda i: (0, 0))
    in_specs = [
        full((B, FEAT)), full((B, FEAT)),
        full((FEAT, HID)), full((1, HID)), full((1, HID)), full((1, HID)),
        full((HID, PROJ)), full((1, PROJ)),
        full((PROJ, HID)), full((1, HID)), full((1, HID)), full((1, HID)),
        full((HID, PROJ)), full((1, PROJ)),
        full((FEAT, HID)), full((1, HID)), full((1, HID)), full((1, HID)),
        full((HID, PROJ)), full((1, PROJ)),
        pl.BlockSpec((CHUNK, PROJ), lambda i: (i, 0)),
        pl.BlockSpec((CHUNK, PROJ), lambda i: (i + NC // 2, 0)),
    ]
    out_specs = [full((1, 1)), full((B, 8))]
    out_shape = [jax.ShapeDtypeStruct((1, 1), jnp.float32),
                 jax.ShapeDtypeStruct((B, 8), jnp.float32)]
    scratch = [pltpu.VMEM((B, 128), jnp.float32)] * 7

    loss, cols = pl.pallas_call(
        _body,
        grid=(NC // 2,),
        in_specs=in_specs,
        out_specs=out_specs,
        out_shape=out_shape,
        scratch_shapes=scratch,
    )(im_q, im_t,
      qW1, row(qb1), row(qg), row(qbe), qW2, row(qb2),
      pW1, row(pb1), row(pg), row(pbe), pW2, row(pb2),
      tW1, row(tb1), row(tg), row(tbe), tW2, row(tb2),
      queue, queue)

    idx5 = cols[:, :TOPK].astype(jnp.int32)
    idx_full = jnp.concatenate(
        [idx5.T.reshape(TOPK * B),
         jnp.arange(NIDX - TOPK * B, dtype=jnp.int32)])
    qlab2 = queue_labels.at[0:B].set(labels)
    glab = _sc_gather(qlab2, idx_full)

    pur = pl.pallas_call(
        _purity_body,
        in_specs=[pl.BlockSpec((8, B), lambda: (0, 0)),
                  pl.BlockSpec((1, B), lambda: (0, 0))],
        out_specs=pl.BlockSpec((1, 1), lambda: (0, 0)),
        out_shape=jax.ShapeDtypeStruct((1, 1), jnp.float32),
    )(glab.reshape(8, B), labels.reshape(1, B))
    return loss[0, 0], pur[0, 0]


NIDX = 1024
NWORK = 32
PER = NIDX // NWORK


def _sc_gather(table, idx):
    mesh = plsc.VectorSubcoreMesh(core_axis_name="c", subcore_axis_name="s")

    @functools.partial(
        pl.kernel, mesh=mesh,
        out_type=jax.ShapeDtypeStruct((NIDX,), jnp.int32),
        scratch_types=[
            pltpu.VMEM((PER,), jnp.int32),
            pltpu.VMEM((PER,), jnp.int32),
            pltpu.SemaphoreType.DMA,
        ],
    )
    def gather_k(table_hbm, idx_hbm, out_hbm, idx_v, rows_v, sem):
        wid = lax.axis_index("s") * 2 + lax.axis_index("c")
        base = wid * PER
        pltpu.sync_copy(idx_hbm.at[pl.ds(base, PER)], idx_v)
        pltpu.async_copy(table_hbm.at[idx_v], rows_v, sem).wait()
        pltpu.sync_copy(rows_v, out_hbm.at[pl.ds(base, PER)])

    return gather_k(table, idx)


def _purity_body(glab, labr, pur_ref):
    g = glab[...]
    lab = labr[...]
    krow = jax.lax.broadcasted_iota(jnp.int32, (8, B), 0)
    hit = (g == lab) & (krow < TOPK)
    s = jnp.sum(jnp.where(hit, 1.0, 0.0), axis=1, keepdims=True)
    tot = jnp.sum(s, axis=0, keepdims=True)
    pur_ref[...] = tot / float(B * TOPK)

# --- scband reference (transcript-rebuilt; emitter-appended) ---
"""Pipeline reference for scband-mean-shift-65309272703420 (READ-ONLY COPY).

The authoritative reference and input builder live on the scoring server;
editing this copy changes nothing except your own understanding.
"""

import jax, jax.numpy as jnp
import numpy as np

FEAT = 512
HID = 1024
PROJ = 128
BANK = 128000
B = 128
TOPK = 5
M = 0.99


def _mlp(x, W1, b1, g, be, W2, b2):
    # Linear -> BatchNorm1d (training mode, batch stats) -> ReLU -> Linear
    h = x @ W1 + b1
    mu = jnp.mean(h, axis=0)
    var = jnp.var(h, axis=0)
    h = g * (h - mu) / jnp.sqrt(var + 1e-5) + be
    h = jnp.maximum(h, 0.0)
    return h @ W2 + b2


def _l2(x):
    n = jnp.sqrt(jnp.sum(x * x, axis=1, keepdims=True))
    return x / jnp.maximum(n, 1e-12)


def setup_inputs(seed: int = 0) -> dict:
    key = jax.random.key(seed)
    ks = jax.random.split(key, 16)

    def lin(k, i, o):
        return (jax.random.normal(k, (i, o), jnp.float32) / np.sqrt(i)).astype(jnp.float32)

    inp = {}
    inp['im_q'] = jax.random.normal(ks[0], (B, FEAT), jnp.float32)
    inp['im_t'] = jax.random.normal(ks[1], (B, FEAT), jnp.float32)
    inp['labels'] = jax.random.randint(ks[2], (B,), 0, 1000, dtype=jnp.int32)
    # encoder_q fc MLP params
    inp['qW1'] = lin(ks[3], FEAT, HID)
    inp['qb1'] = jnp.zeros((HID,), jnp.float32)
    inp['qg'] = jnp.ones((HID,), jnp.float32)
    inp['qbe'] = jnp.zeros((HID,), jnp.float32)
    inp['qW2'] = lin(ks[4], HID, PROJ)
    inp['qb2'] = jnp.zeros((PROJ,), jnp.float32)
    # predict_q MLP params
    inp['pW1'] = lin(ks[5], PROJ, HID)
    inp['pb1'] = jnp.zeros((HID,), jnp.float32)
    inp['pg'] = jnp.ones((HID,), jnp.float32)
    inp['pbe'] = jnp.zeros((HID,), jnp.float32)
    inp['pW2'] = lin(ks[6], HID, PROJ)
    inp['pb2'] = jnp.zeros((PROJ,), jnp.float32)
    # target encoder params: initialized as a copy of encoder_q params
    inp['tW1'] = inp['qW1']
    inp['tb1'] = inp['qb1']
    inp['tg'] = inp['qg']
    inp['tbe'] = inp['qbe']
    inp['tW2'] = inp['qW2']
    inp['tb2'] = inp['qb2']
    # memory bank buffers
    inp['queue'] = _l2(jax.random.normal(ks[7], (BANK, PROJ), jnp.float32))
    inp['queue_labels'] = -jnp.ones((BANK,), jnp.int32)
    return inp


def reference(im_q, im_t, labels, qW1, qb1, qg, qbe, qW2, qb2,
              pW1, pb1, pg, pbe, pW2, pb2,
              tW1, tb1, tg, tbe, tW2, tb2, queue, queue_labels):
    sg = jax.lax.stop_gradient
    # momentum update of target encoder (no grad)
    tW1n = sg(tW1 * M + qW1 * (1.0 - M))
    tb1n = sg(tb1 * M + qb1 * (1.0 - M))
    tgn = sg(tg * M + qg * (1.0 - M))
    tben = sg(tbe * M + qbe * (1.0 - M))
    tW2n = sg(tW2 * M + qW2 * (1.0 - M))
    tb2n = sg(tb2 * M + qb2 * (1.0 - M))

    feat_q = _mlp(im_q, qW1, qb1, qg, qbe, qW2, qb2)
    query = _l2(_mlp(feat_q, pW1, pb1, pg, pbe, pW2, pb2))

    # ShuffleBN shuffle+unshuffle is mathematically identity (batch stats are
    # permutation invariant), so it is omitted here.
    current_target = sg(_l2(_mlp(im_t, tW1n, tb1n, tgn, tben, tW2n, tb2n)))

    # dequeue and enqueue at ptr=0
    queue2 = queue.at[0:B].set(current_target)
    qlab2 = queue_labels.at[0:B].set(labels)

    targets = sg(queue2)
    dist_t = 2.0 - 2.0 * (current_target @ targets.T)
    dist_q = 2.0 - 2.0 * (query @ targets.T)

    _, nn_index = jax.lax.top_k(-dist_t, TOPK)  # smallest distances
    nn_dist_q = jnp.take_along_axis(dist_q, nn_index, axis=1)

    lab_exp = labels[:, None]
    labels_queue = qlab2[nn_index]
    matches = (labels_queue == lab_exp).astype(jnp.float32)

    loss = jnp.mean(jnp.sum(nn_dist_q, axis=1) / TOPK)
    purity = jnp.mean(jnp.sum(matches, axis=1) / TOPK)
    return (loss, purity)

if __name__ == "__main__":
    import jax
    _d = setup_inputs()
    print(jax.jit(kernel)(*tuple(_d.values())))

</pallas_src>

<mosaic_0001>
#map = affine_map<(d0, d1) -> (0)>
module attributes {stable_mosaic.version = 14 : i64} {
  func.func @gather_k(%arg0: i32, %arg1: i32, %arg2: memref<128000xi32, #tpu.memory_space<hbm>>, %arg3: memref<1024xi32, #tpu.memory_space<hbm>>, %arg4: memref<1024xi32, #tpu.memory_space<hbm>>, %arg5: memref<32xi32, #tpu.memory_space<vmem>>, %arg6: memref<32xi32, #tpu.memory_space<vmem>>, %arg7: memref<!tpu.dma_semaphore, #tpu.memory_space<semaphore_mem>>) attributes {dimension_semantics = [#tpu.dimension_semantics<core_parallel>, #tpu.dimension_semantics<subcore_parallel>], iteration_bounds = array<i64: 2, 16>, scalar_prefetch = 0 : i64, scratch_operands = 3 : i64, tpu.core_type = #tpu.core_type<sc_vector_subcore>, window_params = [{transform_indices = #map}, {transform_indices = #map}, {transform_indices = #map}]} {
    %mul3A = arith.constant 2 : i32
    %mul3A_0 = arith.muli %arg1, %mul3A : i32
    %add3A = arith.addi %mul3A_0, %arg0 : i32
    %mul3A_1 = arith.constant 32 : i32
    %mul3A_2 = arith.muli %add3A, %mul3A_1 : i32
    "tpu.region"() ({
      %run_scoped3A = tpu.sem_alloc : memref<!tpu.dma_semaphore, #tpu.memory_space<semaphore_mem>>
      %dma_start3A_5 = tpu.memref_slice %arg3[%mul3A_2] : memref<1024xi32, #tpu.memory_space<hbm>> -> memref<32xi32, #tpu.memory_space<hbm>>
      %dma_start3A_6 = tpu.memref_slice %arg3[%mul3A_2] : memref<1024xi32, #tpu.memory_space<hbm>> -> memref<32xi32, #tpu.memory_space<hbm>>
      tpu.enqueue_dma source(%dma_start3A_6 : memref<32xi32, #tpu.memory_space<hbm>>) target(%arg5 : memref<32xi32, #tpu.memory_space<vmem>>) target_semaphore(%run_scoped3A : memref<!tpu.dma_semaphore, #tpu.memory_space<semaphore_mem>>)
      %dma_wait3A_7 = tpu.memref_slice %arg3[%mul3A_2] : memref<1024xi32, #tpu.memory_space<hbm>> -> memref<32xi32, #tpu.memory_space<hbm>>
      %dma_wait3A_8 = tpu.memref_slice %arg3[%mul3A_2] : memref<1024xi32, #tpu.memory_space<hbm>> -> memref<32xi32, #tpu.memory_space<hbm>>
      tpu.wait_dma2 semaphore(%run_scoped3A : memref<!tpu.dma_semaphore, #tpu.memory_space<semaphore_mem>>) src(%dma_wait3A_8 : memref<32xi32, #tpu.memory_space<hbm>>) dst(%arg5 : memref<32xi32, #tpu.memory_space<vmem>>)
      tpu.yield
    }) : () -> ()
    %dma_start3A = arith.constant 0 : i32
    %dma_start3A_3 = tpu.memref_slice %arg2[%dma_start3A] : memref<128000xi32, #tpu.memory_space<hbm>> -> memref<128000xi32, #tpu.memory_space<hbm>>
    tpu.enqueue_indirect_dma source(%dma_start3A_3 : memref<128000xi32, #tpu.memory_space<hbm>>) target(%arg6 : memref<32xi32, #tpu.memory_space<vmem>>) offsets(%arg5 : memref<32xi32, #tpu.memory_space<vmem>>) semaphore(%arg7 : memref<!tpu.dma_semaphore, #tpu.memory_space<semaphore_mem>>)
    %dma_wait3A = arith.constant 0 : i32
    %dma_wait3A_4 = tpu.memref_slice %arg2[%dma_wait3A] : memref<128000xi32, #tpu.memory_space<hbm>> -> memref<128000xi32, #tpu.memory_space<hbm>>
    tpu.wait_indirect_dma semaphore(%arg7 : memref<!tpu.dma_semaphore, #tpu.memory_space<semaphore_mem>>) src(%dma_wait3A_4 : memref<128000xi32, #tpu.memory_space<hbm>>) dst(%arg6 : memref<32xi32, #tpu.memory_space<vmem>>)
    "tpu.region"() ({
      %run_scoped3A = tpu.sem_alloc : memref<!tpu.dma_semaphore, #tpu.memory_space<semaphore_mem>>
      %dma_start3A_5 = tpu.memref_slice %arg4[%mul3A_2] : memref<1024xi32, #tpu.memory_space<hbm>> -> memref<32xi32, #tpu.memory_space<hbm>>
      %dma_start3A_6 = tpu.memref_slice %arg4[%mul3A_2] : memref<1024xi32, #tpu.memory_space<hbm>> -> memref<32xi32, #tpu.memory_space<hbm>>
      tpu.enqueue_dma source(%arg6 : memref<32xi32, #tpu.memory_space<vmem>>) target(%dma_start3A_6 : memref<32xi32, #tpu.memory_space<hbm>>) target_semaphore(%run_scoped3A : memref<!tpu.dma_semaphore, #tpu.memory_space<semaphore_mem>>)
      %dma_wait3A_7 = tpu.memref_slice %arg4[%mul3A_2] : memref<1024xi32, #tpu.memory_space<hbm>> -> memref<32xi32, #tpu.memory_space<hbm>>
      %dma_wait3A_8 = tpu.memref_slice %arg4[%mul3A_2] : memref<1024xi32, #tpu.memory_space<hbm>> -> memref<32xi32, #tpu.memory_space<hbm>>
      tpu.wait_dma2 semaphore(%run_scoped3A : memref<!tpu.dma_semaphore, #tpu.memory_space<semaphore_mem>>) src(%arg6 : memref<32xi32, #tpu.memory_space<vmem>>) dst(%dma_wait3A_8 : memref<32xi32, #tpu.memory_space<hbm>>)
      tpu.yield
    }) : () -> ()
    return
  }
}

module attributes {stable_mosaic.version = 14 : i64} {
  func.func @_purity_body(%arg0: memref<8x128xi32, #tpu.memory_space<vmem>>, %arg1: memref<1x128xi32, #tpu.memory_space<vmem>>, %arg2: memref<1x1xf32, #tpu.memory_space<vmem>>) attributes {dimension_semantics = [], scalar_prefetch = 0 : i64, scratch_operands = 0 : i64, tpu.core_type = #tpu.core_type<tc>} {
    %get3A = arith.constant 0 : index
    %get3A_0 = arith.constant 0 : index
    %get3A_1 = vector.load %arg0[%get3A, %get3A_0] : memref<8x128xi32, #tpu.memory_space<vmem>>, vector<8x128xi32>
    %get3A_2 = arith.constant 0 : index
    %get3A_3 = arith.constant 0 : index
    %get3A_4 = vector.load %arg1[%get3A_2, %get3A_3] : memref<1x128xi32, #tpu.memory_space<vmem>>, vector<1x128xi32>
    %iota3A = tpu.iota {dimensions = array<i32: 0>} : vector<8x128xi32>
    %eq3A = vector.broadcast %get3A_4 : vector<1x128xi32> to vector<8x128xi32>
    %eq3A_5 = arith.cmpi eq, %get3A_1, %eq3A : vector<8x128xi32>
    %lt3A = arith.constant 5 : i32
    %lt3A_6 = vector.broadcast %lt3A : i32 to vector<8x128xi32>
    %lt3A_7 = arith.cmpi slt, %iota3A, %lt3A_6 : vector<8x128xi32>
    %and3A = arith.andi %eq3A_5, %lt3A_7 : vector<8x128xi1>
    %jit3A = arith.constant 1.000000e+00 : f32
    %jit3A_8 = arith.constant 0.000000e+00 : f32
    %broadcast_in_dim3A = vector.broadcast %jit3A : f32 to vector<8x128xf32>
    %broadcast_in_dim3A_9 = vector.broadcast %jit3A_8 : f32 to vector<8x128xf32>
    %select_n3A = arith.select %and3A, %broadcast_in_dim3A, %broadcast_in_dim3A_9 : vector<8x128xi1>, vector<8x128xf32>
    %reduce_sum3A = arith.constant dense<0.000000e+00> : vector<8xf32>
    %reduce_sum3A_10 = vector.multi_reduction <add>, %select_n3A, %reduce_sum3A [1] : vector<8x128xf32> to vector<8xf32>
    %broadcast_in_dim3A_11 = vector.shape_cast %reduce_sum3A_10 : vector<8xf32> to vector<8x1xf32>
    %reduce_sum3A_12 = arith.constant dense<0.000000e+00> : vector<1xf32>
    %reduce_sum3A_13 = vector.multi_reduction <add>, %broadcast_in_dim3A_11, %reduce_sum3A_12 [0] : vector<8x1xf32> to vector<1xf32>
    %broadcast_in_dim3A_14 = vector.shape_cast %reduce_sum3A_13 : vector<1xf32> to vector<1x1xf32>
    %div3A = arith.constant 6.400000e+02 : f32
    %div3A_15 = vector.broadcast %div3A : f32 to vector<1x1xf32>
    %div3A_16 = arith.divf %broadcast_in_dim3A_14, %div3A_15 : vector<1x1xf32>
    %swap3A = arith.constant 0 : index
    %swap3A_17 = arith.constant 0 : index
    %swap3A_18 = vector.load %arg2[%swap3A, %swap3A_17] : memref<1x1xf32, #tpu.memory_space<vmem>>, vector<1x1xf32>
    tpu.vector_store %arg2[%swap3A, %swap3A_17], %div3A_16 {strides = array<i32>} : memref<1x1xf32, #tpu.memory_space<vmem>>, vector<1x1xf32>,
    return
  }
}

module attributes {stable_mosaic.version = 14 : i64} {
  func.func @_body(%arg0: i32, %arg1: memref<128x512xf32, #tpu.memory_space<vmem>>, %arg2: memref<128x512xf32, #tpu.memory_space<vmem>>, %arg3: memref<512x1024xf32, #tpu.memory_space<vmem>>, %arg4: memref<1x1024xf32, #tpu.memory_space<vmem>>, %arg5: memref<1x1024xf32, #tpu.memory_space<vmem>>, %arg6: memref<1x1024xf32, #tpu.memory_space<vmem>>, %arg7: memref<1024x128xf32, #tpu.memory_space<vmem>>, %arg8: memref<1x128xf32, #tpu.memory_space<vmem>>, %arg9: memref<128x1024xf32, #tpu.memory_space<vmem>>, %arg10: memref<1x1024xf32, #tpu.memory_space<vmem>>, %arg11: memref<1x1024xf32, #tpu.memory_space<vmem>>, %arg12: memref<1x1024xf32, #tpu.memory_space<vmem>>, %arg13: memref<1024x128xf32, #tpu.memory_space<vmem>>, %arg14: memref<1x128xf32, #tpu.memory_space<vmem>>, %arg15: memref<512x1024xf32, #tpu.memory_space<vmem>>, %arg16: memref<1x1024xf32, #tpu.memory_space<vmem>>, %arg17: memref<1x1024xf32, #tpu.memory_space<vmem>>, %arg18: memref<1x1024xf32, #tpu.memory_space<vmem>>, %arg19: memref<1024x128xf32, #tpu.memory_space<vmem>>, %arg20: memref<1x128xf32, #tpu.memory_space<vmem>>, %arg21: memref<6400x128xf32, #tpu.memory_space<vmem>>, %arg22: memref<6400x128xf32, #tpu.memory_space<vmem>>, %arg23: memref<1x1xf32, #tpu.memory_space<vmem>>, %arg24: memref<128x8xf32, #tpu.memory_space<vmem>>, %arg25: memref<128x128xf32, #tpu.memory_space<vmem>>, %arg26: memref<128x128xf32, #tpu.memory_space<vmem>>, %arg27: memref<128x128xf32, #tpu.memory_space<vmem>>, %arg28: memref<128x128xf32, #tpu.memory_space<vmem>>, %arg29: memref<128x128xf32, #tpu.memory_space<vmem>>, %arg30: memref<128x128xf32, #tpu.memory_space<vmem>>, %arg31: memref<128x128xf32, #tpu.memory_space<vmem>>) attributes {dimension_semantics = [#tpu.dimension_semantics<arbitrary>], iteration_bounds = array<i64: 10>, scalar_prefetch = 0 : i64, scratch_operands = 7 : i64, tpu.core_type = #tpu.core_type<tc>, window_params = [{pipeline_mode = #tpu.pipeline_mode<synchronous>, transform_indices = @transform_0, window_bounds = array<i64: 128, 512>}, {pipeline_mode = #tpu.pipeline_mode<synchronous>, transform_indices = @transform_1, window_bounds = array<i64: 128, 512>}, {pipeline_mode = #tpu.pipeline_mode<synchronous>, transform_indices = @transform_2, window_bounds = array<i64: 512, 1024>}, {pipeline_mode = #tpu.pipeline_mode<synchronous>, transform_indices = @transform_3, window_bounds = array<i64: 1, 1024>}, {pipeline_mode = #tpu.pipeline_mode<synchronous>, transform_indices = @transform_4, window_bounds = array<i64: 1, 1024>}, {pipeline_mode = #tpu.pipeline_mode<synchronous>, transform_indices = @transform_5, window_bounds = array<i64: 1, 1024>}, {pipeline_mode = #tpu.pipeline_mode<synchronous>, transform_indices = @transform_6, window_bounds = array<i64: 1024, 128>}, {pipeline_mode = #tpu.pipeline_mode<synchronous>, transform_indices = @transform_7, window_bounds = array<i64: 1, 128>}, {pipeline_mode = #tpu.pipeline_mode<synchronous>, transform_indices = @transform_8, window_bounds = array<i64: 128, 1024>}, {pipeline_mode = #tpu.pipeline_mode<synchronous>, transform_indices = @transform_9, window_bounds = array<i64: 1, 1024>}, {pipeline_mode = #tpu.pipeline_mode<synchronous>, transform_indices = @transform_10, window_bounds = array<i64: 1, 1024>}, {pipeline_mode = #tpu.pipeline_mode<synchronous>, transform_indices = @transform_11, window_bounds = array<i64: 1, 1024>}, {pipeline_mode = #tpu.pipeline_mode<synchronous>, transform_indices = @transform_12, window_bounds = array<i64: 1024, 128>}, {pipeline_mode = #tpu.pipeline_mode<synchronous>, transform_indices = @transform_13, window_bounds = array<i64: 1, 128>}, {pipeline_mode = #tpu.pipeline_mode<synchronous>, transform_indices = @transform_14, window_bounds = array<i64: 512, 1024>}, {pipeline_mode = #tpu.pipeline_mode<synchronous>, transform_indices = @transform_15, window_bounds = array<i64: 1, 1024>}, {pipeline_mode = #tpu.pipeline_mode<synchronous>, transform_indices = @transform_16, window_bounds = array<i64: 1, 1024>}, {pipeline_mode = #tpu.pipeline_mode<synchronous>, transform_indices = @transform_17, window_bounds = array<i64: 1, 1024>}, {pipeline_mode = #tpu.pipeline_mode<synchronous>, transform_indices = @transform_18, window_bounds = array<i64: 1024, 128>}, {pipeline_mode = #tpu.pipeline_mode<synchronous>, transform_indices = @transform_19, window_bounds = array<i64: 1, 128>}, {transform_indices = @transform_20, window_bounds = array<i64: 6400, 128>}, {transform_indices = @transform_21, window_bounds = array<i64: 6400, 128>}, {pipeline_mode = #tpu.pipeline_mode<synchronous>, transform_indices = @transform_22, window_bounds = array<i64: 1, 1>}, {pipeline_mode = #tpu.pipeline_mode<synchronous>, transform_indices = @transform_23, window_bounds = array<i64: 128, 8>}]} {
    %eq3A = arith.constant 0 : i32
    %eq3A_0 = arith.cmpi eq, %arg0, %eq3A : i32
    %convert_element_type3A = arith.extui %eq3A_0 : i1 to i32
    %cond3A = arith.constant 0 : i32
    %cond3A_1 = arith.cmpi ne, %convert_element_type3A, %cond3A : i32
    scf.if %cond3A_1 {
      %get3A_1414 = arith.constant 0 : index
      %get3A_1415 = arith.constant 0 : index
      %get3A_1416 = vector.load %arg1[%get3A_1414, %get3A_1415] : memref<128x512xf32, #tpu.memory_space<vmem>>, vector<128x512xf32>
      %get3A_1417 = arith.constant 0 : index
      %get3A_1418 = arith.constant 0 : index
      %get3A_1419 = vector.load %arg3[%get3A_1417, %get3A_1418] : memref<512x1024xf32, #tpu.memory_space<vmem>>, vector<512x1024xf32>
      %dot_general3A_1420 = arith.constant dense<0.000000e+00> : vector<128x1024xf32>
      %dot_general3A_1421 = tpu.matmul %get3A_1416, %get3A_1419, %dot_general3A_1420 {dimension_numbers = #tpu.dot_dimension_numbers<[1], [0], [0], [1], [0, 0, 1, 1], [], []>, transpose_lhs_hint = false} : vector<128x512xf32>, vector<512x1024xf32>, vector<128x1024xf32> -> vector<128x1024xf32>
      %get3A_1422 = arith.constant 0 : index
      %get3A_1423 = arith.constant 0 : index
      %get3A_1424 = vector.load %arg4[%get3A_1422, %get3A_1423] : memref<1x1024xf32, #tpu.memory_space<vmem>>, vector<1x1024xf32>
      %add3A_1425 = vector.broadcast %get3A_1424 : vector<1x1024xf32> to vector<128x1024xf32>
      %add3A_1426 = arith.addf %dot_general3A_1421, %add3A_1425 : vector<128x1024xf32>
      %get3A_1427 = arith.constant 0 : index
      %get3A_1428 = arith.constant 0 : index
      %get3A_1429 = vector.load %arg5[%get3A_1427, %get3A_1428] : memref<1x1024xf32, #tpu.memory_space<vmem>>, vector<1x1024xf32>
      %get3A_1430 = arith.constant 0 : index
      %get3A_1431 = arith.constant 0 : index
      %get3A_1432 = vector.load %arg6[%get3A_1430, %get3A_1431] : memref<1x1024xf32, #tpu.memory_space<vmem>>, vector<1x1024xf32>
      %reduce_sum3A = arith.constant dense<0.000000e+00> : vector<1024xf32>
      %reduce_sum3A_1433 = vector.multi_reduction <add>, %add3A_1426, %reduce_sum3A [0] : vector<128x1024xf32> to vector<1024xf32>
      %broadcast_in_dim3A_1434 = vector.shape_cast %reduce_sum3A_1433 : vector<1024xf32> to vector<1x1024xf32>
      %div3A = arith.constant 1.280000e+02 : f32
      %div3A_1435 = vector.broadcast %div3A : f32 to vector<1x1024xf32>
      %div3A_1436 = arith.divf %broadcast_in_dim3A_1434, %div3A_1435 : vector<1x1024xf32>
      %sub3A = vector.broadcast %div3A_1436 : vector<1x1024xf32> to vector<128x1024xf32>
      %sub3A_1437 = arith.subf %add3A_1426, %sub3A : vector<128x1024xf32>
      %integer_pow3A = arith.mulf %sub3A_1437, %sub3A_1437 : vector<128x1024xf32>
      %reduce_sum3A_1438 = arith.constant dense<0.000000e+00> : vector<1024xf32>
      %reduce_sum3A_1439 = vector.multi_reduction <add>, %integer_pow3A, %reduce_sum3A_1438 [0] : vector<128x1024xf32> to vector<1024xf32>
      %broadcast_in_dim3A_1440 = vector.shape_cast %reduce_sum3A_1439 : vector<1024xf32> to vector<1x1024xf32>
      %div3A_1441 = arith.constant 1.280000e+02 : f32
      %div3A_1442 = vector.broadcast %div3A_1441 : f32 to vector<1x1024xf32>
      %div3A_1443 = arith.divf %broadcast_in_dim3A_1440, %div3A_1442 : vector<1x1024xf32>
      %sub3A_1444 = vector.broadcast %div3A_1436 : vector<1x1024xf32> to vector<128x1024xf32>
      %sub3A_1445 = arith.subf %add3A_1426, %sub3A_1444 : vector<128x1024xf32>
      %mul3A_1446 = vector.broadcast %get3A_1429 : vector<1x1024xf32> to vector<128x1024xf32>
      %mul3A_1447 = arith.mulf %mul3A_1446, %sub3A_1445 : vector<128x1024xf32>
      %add3A_1448 = arith.constant 9.99999974E-6 : f32
      %add3A_1449 = vector.broadcast %add3A_1448 : f32 to vector<1x1024xf32>
      %add3A_1450 = arith.addf %div3A_1443, %add3A_1449 : vector<1x1024xf32>
      %sqrt3A = math.sqrt %add3A_1450 : vector<1x1024xf32>
      %div3A_1451 = vector.broadcast %sqrt3A : vector<1x1024xf32> to vector<128x1024xf32>
      %div3A_1452 = arith.divf %mul3A_1447, %div3A_1451 : vector<128x1024xf32>
      %add3A_1453 = vector.broadcast %get3A_1432 : vector<1x1024xf32> to vector<128x1024xf32>
      %add3A_1454 = arith.addf %div3A_1452, %add3A_1453 : vector<128x1024xf32>
      %max3A = arith.constant 0.000000e+00 : f32
      %max3A_1455 = vector.broadcast %max3A : f32 to vector<128x1024xf32>
      %max3A_1456 = arith.maximumf %add3A_1454, %max3A_1455 : vector<128x1024xf32>
      %get3A_1457 = arith.constant 0 : index
      %get3A_1458 = arith.constant 0 : index
      %get3A_1459 = vector.load %arg7[%get3A_1457, %get3A_1458] : memref<1024x128xf32, #tpu.memory_space<vmem>>, vector<1024x128xf32>
      %dot_general3A_1460 = arith.constant dense<0.000000e+00> : vector<128x128xf32>
      %dot_general3A_1461 = tpu.matmul %max3A_1456, %get3A_1459, %dot_general3A_1460 {dimension_numbers = #tpu.dot_dimension_numbers<[1], [0], [0], [1], [0, 0, 1, 1], [], []>, transpose_lhs_hint = false} : vector<128x1024xf32>, vector<1024x128xf32>, vector<128x128xf32> -> vector<128x128xf32>
      %get3A_1462 = arith.constant 0 : index
      %get3A_1463 = arith.constant 0 : index
      %get3A_1464 = vector.load %arg8[%get3A_1462, %get3A_1463] : memref<1x128xf32, #tpu.memory_space<vmem>>, vector<1x128xf32>
      %add3A_1465 = vector.broadcast %get3A_1464 : vector<1x128xf32> to vector<128x128xf32>
      %add3A_1466 = arith.addf %dot_general3A_1461, %add3A_1465 : vector<128x128xf32>
      %get3A_1467 = arith.constant 0 : index
      %get3A_1468 = arith.constant 0 : index
      %get3A_1469 = vector.load %arg9[%get3A_1467, %get3A_1468] : memref<128x1024xf32, #tpu.memory_space<vmem>>, vector<128x1024xf32>
      %dot_general3A_1470 = arith.constant dense<0.000000e+00> : vector<128x1024xf32>
      %dot_general3A_1471 = tpu.matmul %add3A_1466, %get3A_1469, %dot_general3A_1470 {dimension_numbers = #tpu.dot_dimension_numbers<[1], [0], [0], [1], [0, 0, 1, 1], [], []>, transpose_lhs_hint = false} : vector<128x128xf32>, vector<128x1024xf32>, vector<128x1024xf32> -> vector<128x1024xf32>
      %get3A_1472 = arith.constant 0 : index
      %get3A_1473 = arith.constant 0 : index
      %get3A_1474 = vector.load %arg10[%get3A_1472, %get3A_1473] : memref<1x1024xf32, #tpu.memory_space<vmem>>, vector<1x1024xf32>
      %add3A_1475 = vector.broadcast %get3A_1474 : vector<1x1024xf32> to vector<128x1024xf32>
      %add3A_1476 = arith.addf %dot_general3A_1471, %add3A_1475 : vector<128x1024xf32>
      %get3A_1477 = arith.constant 0 : index
      %get3A_1478 = arith.constant 0 : index
      %get3A_1479 = vector.load %arg11[%get3A_1477, %get3A_1478] : memref<1x1024xf32, #tpu.memory_space<vmem>>, vector<1x1024xf32>
      %get3A_1480 = arith.constant 0 : index
      %get3A_1481 = arith.constant 0 : index
      %get3A_1482 = vector.load %arg12[%get3A_1480, %get3A_1481] : memref<1x1024xf32, #tpu.memory_space<vmem>>, vector<1x1024xf32>
      %reduce_sum3A_1483 = arith.constant dense<0.000000e+00> : vector<1024xf32>
      %reduce_sum3A_1484 = vector.multi_reduction <add>, %add3A_1476, %reduce_sum3A_1483 [0] : vector<128x1024xf32> to vector<1024xf32>
      %broadcast_in_dim3A_1485 = vector.shape_cast %reduce_sum3A_1484 : vector<1024xf32> to vector<1x1024xf32>
      %div3A_1486 = arith.constant 1.280000e+02 : f32
      %div3A_1487 = vector.broadcast %div3A_1486 : f32 to vector<1x1024xf32>
      %div3A_1488 = arith.divf %broadcast_in_dim3A_1485, %div3A_1487 : vector<1x1024xf32>
      %sub3A_1489 = vector.broadcast %div3A_1488 : vector<1x1024xf32> to vector<128x1024xf32>
      %sub3A_1490 = arith.subf %add3A_1476, %sub3A_1489 : vector<128x1024xf32>
      %integer_pow3A_1491 = arith.mulf %sub3A_1490, %sub3A_1490 : vector<128x1024xf32>
      %reduce_sum3A_1492 = arith.constant dense<0.000000e+00> : vector<1024xf32>
      %reduce_sum3A_1493 = vector.multi_reduction <add>, %integer_pow3A_1491, %reduce_sum3A_1492 [0] : vector<128x1024xf32> to vector<1024xf32>
      %broadcast_in_dim3A_1494 = vector.shape_cast %reduce_sum3A_1493 : vector<1024xf32> to vector<1x1024xf32>
      %div3A_1495 = arith.constant 1.280000e+02 : f32
      %div3A_1496 = vector.broadcast %div3A_1495 : f32 to vector<1x1024xf32>
      %div3A_1497 = arith.divf %broadcast_in_dim3A_1494, %div3A_1496 : vector<1x1024xf32>
      %sub3A_1498 = vector.broadcast %div3A_1488 : vector<1x1024xf32> to vector<128x1024xf32>
      %sub3A_1499 = arith.subf %add3A_1476, %sub3A_1498 : vector<128x1024xf32>
      %mul3A_1500 = vector.broadcast %get3A_1479 : vector<1x1024xf32> to vector<128x1024xf32>
      %mul3A_1501 = arith.mulf %mul3A_1500, %sub3A_1499 : vector<128x1024xf32>
      %add3A_1502 = arith.constant 9.99999974E-6 : f32
      %add3A_1503 = vector.broadcast %add3A_1502 : f32 to vector<1x1024xf32>
      %add3A_1504 = arith.addf %div3A_1497, %add3A_1503 : vector<1x1024xf32>
      %sqrt3A_1505 = math.sqrt %add3A_1504 : vector<1x1024xf32>
      %div3A_1506 = vector.broadcast %sqrt3A_1505 : vector<1x1024xf32> to vector<128x1024xf32>
      %div3A_1507 = arith.divf %mul3A_1501, %div3A_1506 : vector<128x1024xf32>
      %add3A_1508 = vector.broadcast %get3A_1482 : vector<1x1024xf32> to vector<128x1024xf32>
      %add3A_1509 = arith.addf %div3A_1507, %add3A_1508 : vector<128x1024xf32>
      %max3A_1510 = arith.constant 0.000000e+00 : f32
      %max3A_1511 = vector.broadcast %max3A_1510 : f32 to vector<128x1024xf32>
      %max3A_1512 = arith.maximumf %add3A_1509, %max3A_1511 : vector<128x1024xf32>
      %get3A_1513 = arith.constant 0 : index
      %get3A_1514 = arith.constant 0 : index
      %get3A_1515 = vector.load %arg13[%get3A_1513, %get3A_1514] : memref<1024x128xf32, #tpu.memory_space<vmem>>, vector<1024x128xf32>
      %dot_general3A_1516 = arith.constant dense<0.000000e+00> : vector<128x128xf32>
      %dot_general3A_1517 = tpu.matmul %max3A_1512, %get3A_1515, %dot_general3A_1516 {dimension_numbers = #tpu.dot_dimension_numbers<[1], [0], [0], [1], [0, 0, 1, 1], [], []>, transpose_lhs_hint = false} : vector<128x1024xf32>, vector<1024x128xf32>, vector<128x128xf32> -> vector<128x128xf32>
      %get3A_1518 = arith.constant 0 : index
      %get3A_1519 = arith.constant 0 : index
      %get3A_1520 = vector.load %arg14[%get3A_1518, %get3A_1519] : memref<1x128xf32, #tpu.memory_space<vmem>>, vector<1x128xf32>
      %add3A_1521 = vector.broadcast %get3A_1520 : vector<1x128xf32> to vector<128x128xf32>
      %add3A_1522 = arith.addf %dot_general3A_1517, %add3A_1521 : vector<128x128xf32>
      %mul3A_1523 = arith.mulf %add3A_1522, %add3A_1522 : vector<128x128xf32>
      %reduce_sum3A_1524 = arith.constant dense<0.000000e+00> : vector<128xf32>
      %reduce_sum3A_1525 = vector.multi_reduction <add>, %mul3A_1523, %reduce_sum3A_1524 [1] : vector<128x128xf32> to vector<128xf32>
      %broadcast_in_dim3A_1526 = vector.shape_cast %reduce_sum3A_1525 : vector<128xf32> to vector<128x1xf32>
      %sqrt3A_1527 = math.sqrt %broadcast_in_dim3A_1526 : vector<128x1xf32>
      %max3A_1528 = arith.constant 9.99999996E-13 : f32
      %max3A_1529 = vector.broadcast %max3A_1528 : f32 to vector<128x1xf32>
      %max3A_1530 = arith.maximumf %sqrt3A_1527, %max3A_1529 : vector<128x1xf32>
      %div3A_1531 = vector.broadcast %max3A_1530 : vector<128x1xf32> to vector<128x128xf32>
      %div3A_1532 = arith.divf %add3A_1522, %div3A_1531 : vector<128x128xf32>
      %swap3A_1533 = arith.constant 0 : index
      %swap3A_1534 = arith.constant 0 : index
      %swap3A_1535 = vector.load %arg25[%swap3A_1533, %swap3A_1534] : memref<128x128xf32, #tpu.memory_space<vmem>>, vector<128x128xf32>
      tpu.vector_store %arg25[%swap3A_1533, %swap3A_1534], %div3A_1532 {strides = array<i32>} : memref<128x128xf32, #tpu.memory_space<vmem>>, vector<128x128xf32>,
      %get3A_1536 = arith.constant 0 : index
      %get3A_1537 = arith.constant 0 : index
      %get3A_1538 = vector.load %arg2[%get3A_1536, %get3A_1537] : memref<128x512xf32, #tpu.memory_space<vmem>>, vector<128x512xf32>
      %get3A_1539 = arith.constant 0 : index
      %get3A_1540 = arith.constant 0 : index
      %get3A_1541 = vector.load %arg3[%get3A_1539, %get3A_1540] : memref<512x1024xf32, #tpu.memory_space<vmem>>, vector<512x1024xf32>
      %dot_general3A_1542 = arith.constant dense<0.000000e+00> : vector<128x1024xf32>
      %dot_general3A_1543 = tpu.matmul %get3A_1538, %get3A_1541, %dot_general3A_1542 {dimension_numbers = #tpu.dot_dimension_numbers<[1], [0], [0], [1], [0, 0, 1, 1], [], []>, transpose_lhs_hint = false} : vector<128x512xf32>, vector<512x1024xf32>, vector<128x1024xf32> -> vector<128x1024xf32>
      %get3A_1544 = arith.constant 0 : index
      %get3A_1545 = arith.constant 0 : index
      %get3A_1546 = vector.load %arg4[%get3A_1544, %get3A_1545] : memref<1x1024xf32, #tpu.memory_space<vmem>>, vector<1x1024xf32>
      %add3A_1547 = vector.broadcast %get3A_1546 : vector<1x1024xf32> to vector<128x1024xf32>
      %add3A_1548 = arith.addf %dot_general3A_1543, %add3A_1547 : vector<128x1024xf32>
      %get3A_1549 = arith.constant 0 : index
      %get3A_1550 = arith.constant 0 : index
      %get3A_1551 = vector.load %arg5[%get3A_1549, %get3A_1550] : memref<1x1024xf32, #tpu.memory_space<vmem>>, vector<1x1024xf32>
      %get3A_1552 = arith.constant 0 : index
      %get3A_1553 = arith.constant 0 : index
      %get3A_1554 = vector.load %arg6[%get3A_1552, %get3A_1553] : memref<1x1024xf32, #tpu.memory_space<vmem>>, vector<1x1024xf32>
      %reduce_sum3A_1555 = arith.constant dense<0.000000e+00> : vector<1024xf32>
      %reduce_sum3A_1556 = vector.multi_reduction <add>, %add3A_1548, %reduce_sum3A_1555 [0] : vector<128x1024xf32> to vector<1024xf32>
      %broadcast_in_dim3A_1557 = vector.shape_cast %reduce_sum3A_1556 : vector<1024xf32> to vector<1x1024xf32>
      %div3A_1558 = arith.constant 1.280000e+02 : f32
      %div3A_1559 = vector.broadcast %div3A_1558 : f32 to vector<1x1024xf32>
      %div3A_1560 = arith.divf %broadcast_in_dim3A_1557, %div3A_1559 : vector<1x1024xf32>
      %sub3A_1561 = vector.broadcast %div3A_1560 : vector<1x1024xf32> to vector<128x1024xf32>
      %sub3A_1562 = arith.subf %add3A_1548, %sub3A_1561 : vector<128x1024xf32>
      %integer_pow3A_1563 = arith.mulf %sub3A_1562, %sub3A_1562 : vector<128x1024xf32>
      %reduce_sum3A_1564 = arith.constant dense<0.000000e+00> : vector<1024xf32>
      %reduce_sum3A_1565 = vector.multi_reduction <add>, %integer_pow3A_1563, %reduce_sum3A_1564 [0] : vector<128x1024xf32> to vector<1024xf32>
      %broadcast_in_dim3A_1566 = vector.shape_cast %reduce_sum3A_1565 : vector<1024xf32> to vector<1x1024xf32>
      %div3A_1567 = arith.constant 1.280000e+02 : f32
      %div3A_1568 = vector.broadcast %div3A_1567 : f32 to vector<1x1024xf32>
      %div3A_1569 = arith.divf %broadcast_in_dim3A_1566, %div3A_1568 : vector<1x1024xf32>
      %sub3A_1570 = vector.broadcast %div3A_1560 : vector<1x1024xf32> to vector<128x1024xf32>
      %sub3A_1571 = arith.subf %add3A_1548, %sub3A_1570 : vector<128x1024xf32>
      %mul3A_1572 = vector.broadcast %get3A_1551 : vector<1x1024xf32> to vector<128x1024xf32>
      %mul3A_1573 = arith.mulf %mul3A_1572, %sub3A_1571 : vector<128x1024xf32>
      %add3A_1574 = arith.constant 9.99999974E-6 : f32
      %add3A_1575 = vector.broadcast %add3A_1574 : f32 to vector<1x1024xf32>
      %add3A_1576 = arith.addf %div3A_1569, %add3A_1575 : vector<1x1024xf32>
      %sqrt3A_1577 = math.sqrt %add3A_1576 : vector<1x1024xf32>
      %div3A_1578 = vector.broadcast %sqrt3A_1577 : vector<1x1024xf32> to vector<128x1024xf32>
      %div3A_1579 = arith.divf %mul3A_1573, %div3A_1578 : vector<128x1024xf32>
      %add3A_1580 = vector.broadcast %get3A_1554 : vector<1x1024xf32> to vector<128x1024xf32>
      %add3A_1581 = arith.addf %div3A_1579, %add3A_1580 : vector<128x1024xf32>
      %max3A_1582 = arith.constant 0.000000e+00 : f32
      %max3A_1583 = vector.broadcast %max3A_1582 : f32 to vector<128x1024xf32>
      %max3A_1584 = arith.maximumf %add3A_1581, %max3A_1583 : vector<128x1024xf32>
      %get3A_1585 = arith.constant 0 : index
      %get3A_1586 = arith.constant 0 : index
      %get3A_1587 = vector.load %arg7[%get3A_1585, %get3A_1586] : memref<1024x128xf32, #tpu.memory_space<vmem>>, vector<1024x128xf32>
      %dot_general3A_1588 = arith.constant dense<0.000000e+00> : vector<128x128xf32>
      %dot_general3A_1589 = tpu.matmul %max3A_1584, %get3A_1587, %dot_general3A_1588 {dimension_numbers = #tpu.dot_dimension_numbers<[1], [0], [0], [1], [0, 0, 1, 1], [], []>, transpose_lhs_hint = false} : vector<128x1024xf32>, vector<1024x128xf32>, vector<128x128xf32> -> vector<128x128xf32>
      %get3A_1590 = arith.constant 0 : index
      %get3A_1591 = arith.constant 0 : index
      %get3A_1592 = vector.load %arg8[%get3A_1590, %get3A_1591] : memref<1x128xf32, #tpu.memory_space<vmem>>, vector<1x128xf32>
      %add3A_1593 = vector.broadcast %get3A_1592 : vector<1x128xf32> to vector<128x128xf32>
      %add3A_1594 = arith.addf %dot_general3A_1589, %add3A_1593 : vector<128x128xf32>
      %mul3A_1595 = arith.mulf %add3A_1594, %add3A_1594 : vector<128x128xf32>
      %reduce_sum3A_1596 = arith.constant dense<0.000000e+00> : vector<128xf32>
      %reduce_sum3A_1597 = vector.multi_reduction <add>, %mul3A_1595, %reduce_sum3A_1596 [1] : vector<128x128xf32> to vector<128xf32>
      %broadcast_in_dim3A_1598 = vector.shape_cast %reduce_sum3A_1597 : vector<128xf32> to vector<128x1xf32>
      %sqrt3A_1599 = math.sqrt %broadcast_in_dim3A_1598 : vector<128x1xf32>
      %max3A_1600 = arith.constant 9.99999996E-13 : f32
      %max3A_1601 = vector.broadcast %max3A_1600 : f32 to vector<128x1xf32>
      %max3A_1602 = arith.maximumf %sqrt3A_1599, %max3A_1601 : vector<128x1xf32>
      %div3A_1603 = vector.broadcast %max3A_1602 : vector<128x1xf32> to vector<128x128xf32>
      %div3A_1604 = arith.divf %add3A_1594, %div3A_1603 : vector<128x128xf32>
      %swap3A_1605 = arith.constant 0 : index
      %swap3A_1606 = arith.constant 0 : index
      %swap3A_1607 = vector.load %arg26[%swap3A_1605, %swap3A_1606] : memref<128x128xf32, #tpu.memory_space<vmem>>, vector<128x128xf32>
      tpu.vector_store %arg26[%swap3A_1605, %swap3A_1606], %div3A_1604 {strides = array<i32>} : memref<128x128xf32, #tpu.memory_space<vmem>>, vector<128x128xf32>,
      %dot_general3A_1608 = arith.constant dense<0.000000e+00> : vector<128x128xf32>
      %dot_general3A_1609 = tpu.matmul %div3A_1604, %div3A_1604, %dot_general3A_1608 {dimension_numbers = #tpu.dot_dimension_numbers<[1], [1], [0], [0], [0, 0, 1, 0], [], []>, transpose_lhs_hint = false} : vector<128x128xf32>, vector<128x128xf32>, vector<128x128xf32> -> vector<128x128xf32>
      %swap3A_1610 = arith.constant 0 : index
      %swap3A_1611 = arith.constant 0 : index
      %swap3A_1612 = vector.load %arg27[%swap3A_1610, %swap3A_1611] : memref<128x128xf32, #tpu.memory_space<vmem>>, vector<128x128xf32>
      tpu.vector_store %arg27[%swap3A_1610, %swap3A_1611], %dot_general3A_1609 {strides = array<i32>} : memref<128x128xf32, #tpu.memory_space<vmem>>, vector<128x128xf32>,
      %dot_general3A_1613 = arith.constant dense<0.000000e+00> : vector<128x128xf32>
      %dot_general3A_1614 = tpu.matmul %div3A_1532, %div3A_1604, %dot_general3A_1613 {dimension_numbers = #tpu.dot_dimension_numbers<[1], [1], [0], [0], [0, 0, 1, 0], [], []>, transpose_lhs_hint = false} : vector<128x128xf32>, vector<128x128xf32>, vector<128x128xf32> -> vector<128x128xf32>
      %swap3A_1615 = arith.constant 0 : index
      %swap3A_1616 = arith.constant 0 : index
      %swap3A_1617 = vector.load %arg28[%swap3A_1615, %swap3A_1616] : memref<128x128xf32, #tpu.memory_space<vmem>>, vector<128x128xf32>
      tpu.vector_store %arg28[%swap3A_1615, %swap3A_1616], %dot_general3A_1614 {strides = array<i32>} : memref<128x128xf32, #tpu.memory_space<vmem>>, vector<128x128xf32>,
      %broadcast_in_dim3A_1618 = arith.constant 0xFF800000 : f32
      %broadcast_in_dim3A_1619 = vector.broadcast %broadcast_in_dim3A_1618 : f32 to vector<128x128xf32>
      %swap3A_1620 = arith.constant 0 : index
      %swap3A_1621 = arith.constant 0 : index
      %swap3A_1622 = vector.load %arg29[%swap3A_1620, %swap3A_1621] : memref<128x128xf32, #tpu.memory_space<vmem>>, vector<128x128xf32>
      tpu.vector_store %arg29[%swap3A_1620, %swap3A_1621], %broadcast_in_dim3A_1619 {strides = array<i32>} : memref<128x128xf32, #tpu.memory_space<vmem>>, vector<128x128xf32>,
      %broadcast_in_dim3A_1623 = arith.constant 0.000000e+00 : f32
      %broadcast_in_dim3A_1624 = vector.broadcast %broadcast_in_dim3A_1623 : f32 to vector<128x128xf32>
      %swap3A_1625 = arith.constant 0 : index
      %swap3A_1626 = arith.constant 0 : index
      %swap3A_1627 = vector.load %arg30[%swap3A_1625, %swap3A_1626] : memref<128x128xf32, #tpu.memory_space<vmem>>, vector<128x128xf32>
      tpu.vector_store %arg30[%swap3A_1625, %swap3A_1626], %broadcast_in_dim3A_1624 {strides = array<i32>} : memref<128x128xf32, #tpu.memory_space<vmem>>, vector<128x128xf32>,
      %swap3A_1628 = arith.constant 0 : index
      %swap3A_1629 = arith.constant 0 : index
      %swap3A_1630 = vector.load %arg31[%swap3A_1628, %swap3A_1629] : memref<128x128xf32, #tpu.memory_space<vmem>>, vector<128x128xf32>
      tpu.vector_store %arg31[%swap3A_1628, %swap3A_1629], %broadcast_in_dim3A_1624 {strides = array<i32>} : memref<128x128xf32, #tpu.memory_space<vmem>>, vector<128x128xf32>,
    } else {
    }
    %get3A = arith.constant 0 : index
    %get3A_2 = arith.constant 0 : index
    %get3A_3 = vector.load %arg26[%get3A, %get3A_2] : memref<128x128xf32, #tpu.memory_space<vmem>>, vector<128x128xf32>
    %convert_element_type3A_4 = arith.truncf %get3A_3 : vector<128x128xf32> to vector<128x128xbf16>
    %get3A_5 = arith.constant 0 : index
    %get3A_6 = arith.constant 0 : index
    %get3A_7 = vector.load %arg25[%get3A_5, %get3A_6] : memref<128x128xf32, #tpu.memory_space<vmem>>, vector<128x128xf32>
    %convert_element_type3A_8 = arith.truncf %get3A_7 : vector<128x128xf32> to vector<128x128xbf16>
    %eq3A_9 = arith.constant 0 : i32
    %eq3A_10 = arith.cmpi eq, %arg0, %eq3A_9 : i32
    %convert_element_type3A_11 = arith.sitofp %arg0 : i32 to f32
    %get3A_12 = arith.constant 0 : index
    %get3A_13 = arith.constant 0 : index
    %get3A_14 = vector.load %arg29[%get3A_12, %get3A_13] : memref<128x128xf32, #tpu.memory_space<vmem>>, vector<128x128xf32>
    %get3A_15 = arith.constant 0 : index
    %get3A_16 = arith.constant 0 : index
    %get3A_17 = vector.load %arg30[%get3A_15, %get3A_16] : memref<128x128xf32, #tpu.memory_space<vmem>>, vector<128x128xf32>
    %get3A_18 = arith.constant 0 : index
    %get3A_19 = arith.constant 0 : index
    %get3A_20 = vector.load %arg31[%get3A_18, %get3A_19] : memref<128x128xf32, #tpu.memory_space<vmem>>, vector<128x128xf32>
    %get3A_21 = arith.constant 0 : index
    %get3A_22 = arith.constant 0 : index
    %get3A_23 = vector.load %arg21[%get3A_21, %get3A_22] : memref<6400x128xf32, #tpu.memory_space<vmem>>, vector<1280x128xf32>
    %convert_element_type3A_24 = arith.truncf %get3A_23 : vector<1280x128xf32> to vector<1280x128xbf16>
    %dot_general3A = arith.constant dense<0.000000e+00> : vector<128x1280xf32>
    %dot_general3A_25 = tpu.matmul %convert_element_type3A_4, %convert_element_type3A_24, %dot_general3A {dimension_numbers = #tpu.dot_dimension_numbers<[1], [1], [0], [0], [0, 0, 1, 0], [], []>, transpose_lhs_hint = false} : vector<128x128xbf16>, vector<1280x128xbf16>, vector<128x1280xf32> -> vector<128x1280xf32>
    %dot_general3A_26 = arith.constant dense<0.000000e+00> : vector<128x1280xf32>
    %dot_general3A_27 = tpu.matmul %convert_element_type3A_8, %convert_element_type3A_24, %dot_general3A_26 {dimension_numbers = #tpu.dot_dimension_numbers<[1], [1], [0], [0], [0, 0, 1, 0], [], []>, transpose_lhs_hint = false} : vector<128x128xbf16>, vector<1280x128xbf16>, vector<128x1280xf32> -> vector<128x1280xf32>
    %slice3A = vector.extract_strided_slice %dot_general3A_25 {offsets = [0, 0], sizes = [128, 128], strides = [1, 1]} : vector<128x1280xf32> to vector<128x128xf32>
    %slice3A_28 = vector.extract_strided_slice %dot_general3A_27 {offsets = [0, 0], sizes = [128, 128], strides = [1, 1]} : vector<128x1280xf32> to vector<128x128xf32>
    %get3A_29 = arith.constant 0 : index
    %get3A_30 = arith.constant 0 : index
    %get3A_31 = vector.load %arg27[%get3A_29, %get3A_30] : memref<128x128xf32, #tpu.memory_space<vmem>>, vector<128x128xf32>
    %select_n3A = arith.select %eq3A_10, %get3A_31, %slice3A : vector<128x128xf32>
    %get3A_32 = arith.constant 0 : index
    %get3A_33 = arith.constant 0 : index
    %get3A_34 = vector.load %arg28[%get3A_32, %get3A_33] : memref<128x128xf32, #tpu.memory_space<vmem>>, vector<128x128xf32>
    %select_n3A_35 = arith.select %eq3A_10, %get3A_34, %slice3A_28 : vector<128x128xf32>
    %add3A = arith.constant 0.000000e+00 : f32
    %add3A_36 = arith.addf %convert_element_type3A_11, %add3A : f32
    %mul3A = arith.constant 5.000000e+01 : f32
    %mul3A_37 = arith.mulf %add3A_36, %mul3A : f32
    %add3A_38 = arith.constant 0.000000e+00 : f32
    %add3A_39 = arith.addf %mul3A_37, %add3A_38 : f32
    %slice3A_40 = vector.extract_strided_slice %dot_general3A_25 {offsets = [0, 128], sizes = [128, 128], strides = [1, 1]} : vector<128x1280xf32> to vector<128x128xf32>
    %slice3A_41 = vector.extract_strided_slice %dot_general3A_27 {offsets = [0, 128], sizes = [128, 128], strides = [1, 1]} : vector<128x1280xf32> to vector<128x128xf32>
    %add3A_42 = arith.constant 0.000000e+00 : f32
    %add3A_43 = arith.addf %convert_element_type3A_11, %add3A_42 : f32
    %mul3A_44 = arith.constant 5.000000e+01 : f32
    %mul3A_45 = arith.mulf %add3A_43, %mul3A_44 : f32
    %add3A_46 = arith.constant 1.000000e+00 : f32
    %add3A_47 = arith.addf %mul3A_45, %add3A_46 : f32
    %slice3A_48 = vector.extract_strided_slice %dot_general3A_25 {offsets = [0, 256], sizes = [128, 128], strides = [1, 1]} : vector<128x1280xf32> to vector<128x128xf32>
    %slice3A_49 = vector.extract_strided_slice %dot_general3A_27 {offsets = [0, 256], sizes = [128, 128], strides = [1, 1]} : vector<128x1280xf32> to vector<128x128xf32>
    %add3A_50 = arith.constant 0.000000e+00 : f32
    %add3A_51 = arith.addf %convert_element_type3A_11, %add3A_50 : f32
    %mul3A_52 = arith.constant 5.000000e+01 : f32
    %mul3A_53 = arith.mulf %add3A_51, %mul3A_52 : f32
    %add3A_54 = arith.constant 2.000000e+00 : f32
    %add3A_55 = arith.addf %mul3A_53, %add3A_54 : f32
    %slice3A_56 = vector.extract_strided_slice %dot_general3A_25 {offsets = [0, 384], sizes = [128, 128], strides = [1, 1]} : vector<128x1280xf32> to vector<128x128xf32>
    %slice3A_57 = vector.extract_strided_slice %dot_general3A_27 {offsets = [0, 384], sizes = [128, 128], strides = [1, 1]} : vector<128x1280xf32> to vector<128x128xf32>
    %add3A_58 = arith.constant 0.000000e+00 : f32
    %add3A_59 = arith.addf %convert_element_type3A_11, %add3A_58 : f32
    %mul3A_60 = arith.constant 5.000000e+01 : f32
    %mul3A_61 = arith.mulf %add3A_59, %mul3A_60 : f32
    %add3A_62 = arith.constant 3.000000e+00 : f32
    %add3A_63 = arith.addf %mul3A_61, %add3A_62 : f32
    %slice3A_64 = vector.extract_strided_slice %dot_general3A_25 {offsets = [0, 512], sizes = [128, 128], strides = [1, 1]} : vector<128x1280xf32> to vector<128x128xf32>
    %slice3A_65 = vector.extract_strided_slice %dot_general3A_27 {offsets = [0, 512], sizes = [128, 128], strides = [1, 1]} : vector<128x1280xf32> to vector<128x128xf32>
    %add3A_66 = arith.constant 0.000000e+00 : f32
    %add3A_67 = arith.addf %convert_element_type3A_11, %add3A_66 : f32
    %mul3A_68 = arith.constant 5.000000e+01 : f32
    %mul3A_69 = arith.mulf %add3A_67, %mul3A_68 : f32
    %add3A_70 = arith.constant 4.000000e+00 : f32
    %add3A_71 = arith.addf %mul3A_69, %add3A_70 : f32
    %slice3A_72 = vector.extract_strided_slice %dot_general3A_25 {offsets = [0, 640], sizes = [128, 128], strides = [1, 1]} : vector<128x1280xf32> to vector<128x128xf32>
    %slice3A_73 = vector.extract_strided_slice %dot_general3A_27 {offsets = [0, 640], sizes = [128, 128], strides = [1, 1]} : vector<128x1280xf32> to vector<128x128xf32>
    %add3A_74 = arith.constant 0.000000e+00 : f32
    %add3A_75 = arith.addf %convert_element_type3A_11, %add3A_74 : f32
    %mul3A_76 = arith.constant 5.000000e+01 : f32
    %mul3A_77 = arith.mulf %add3A_75, %mul3A_76 : f32
    %add3A_78 = arith.constant 5.000000e+00 : f32
    %add3A_79 = arith.addf %mul3A_77, %add3A_78 : f32
    %slice3A_80 = vector.extract_strided_slice %dot_general3A_25 {offsets = [0, 768], sizes = [128, 128], strides = [1, 1]} : vector<128x1280xf32> to vector<128x128xf32>
    %slice3A_81 = vector.extract_strided_slice %dot_general3A_27 {offsets = [0, 768], sizes = [128, 128], strides = [1, 1]} : vector<128x1280xf32> to vector<128x128xf32>
    %add3A_82 = arith.constant 0.000000e+00 : f32
    %add3A_83 = arith.addf %convert_element_type3A_11, %add3A_82 : f32
    %mul3A_84 = arith.constant 5.000000e+01 : f32
    %mul3A_85 = arith.mulf %add3A_83, %mul3A_84 : f32
    %add3A_86 = arith.constant 6.000000e+00 : f32
    %add3A_87 = arith.addf %mul3A_85, %add3A_86 : f32
    %slice3A_88 = vector.extract_strided_slice %dot_general3A_25 {offsets = [0, 896], sizes = [128, 128], strides = [1, 1]} : vector<128x1280xf32> to vector<128x128xf32>
    %slice3A_89 = vector.extract_strided_slice %dot_general3A_27 {offsets = [0, 896], sizes = [128, 128], strides = [1, 1]} : vector<128x1280xf32> to vector<128x128xf32>
    %add3A_90 = arith.constant 0.000000e+00 : f32
    %add3A_91 = arith.addf %convert_element_type3A_11, %add3A_90 : f32
    %mul3A_92 = arith.constant 5.000000e+01 : f32
    %mul3A_93 = arith.mulf %add3A_91, %mul3A_92 : f32
    %add3A_94 = arith.constant 7.000000e+00 : f32
    %add3A_95 = arith.addf %mul3A_93, %add3A_94 : f32
    %slice3A_96 = vector.extract_strided_slice %dot_general3A_25 {offsets = [0, 1024], sizes = [128, 128], strides = [1, 1]} : vector<128x1280xf32> to vector<128x128xf32>
    %slice3A_97 = vector.extract_strided_slice %dot_general3A_27 {offsets = [0, 1024], sizes = [128, 128], strides = [1, 1]} : vector<128x1280xf32> to vector<128x128xf32>
    %add3A_98 = arith.constant 0.000000e+00 : f32
    %add3A_99 = arith.addf %convert_element_type3A_11, %add3A_98 : f32
    %mul3A_100 = arith.constant 5.000000e+01 : f32
    %mul3A_101 = arith.mulf %add3A_99, %mul3A_100 : f32
    %add3A_102 = arith.constant 8.000000e+00 : f32
    %add3A_103 = arith.addf %mul3A_101, %add3A_102 : f32
    %slice3A_104 = vector.extract_strided_slice %dot_general3A_25 {offsets = [0, 1152], sizes = [128, 128], strides = [1, 1]} : vector<128x1280xf32> to vector<128x128xf32>
    %slice3A_105 = vector.extract_strided_slice %dot_general3A_27 {offsets = [0, 1152], sizes = [128, 128], strides = [1, 1]} : vector<128x1280xf32> to vector<128x128xf32>
    %add3A_106 = arith.constant 0.000000e+00 : f32
    %add3A_107 = arith.addf %convert_element_type3A_11, %add3A_106 : f32
    %mul3A_108 = arith.constant 5.000000e+01 : f32
    %mul3A_109 = arith.mulf %add3A_107, %mul3A_108 : f32
    %add3A_110 = arith.constant 9.000000e+00 : f32
    %add3A_111 = arith.addf %mul3A_109, %add3A_110 : f32
    %ge3A = arith.cmpf oge, %select_n3A, %slice3A_40 : vector<128x128xf32>
    %select_n3A_112 = arith.select %ge3A, %select_n3A, %slice3A_40 : vector<128x128xi1>, vector<128x128xf32>
    %select_n3A_113 = arith.select %ge3A, %select_n3A_35, %slice3A_41 : vector<128x128xi1>, vector<128x128xf32>
    %broadcast_in_dim3A = vector.broadcast %add3A_39 : f32 to vector<128x128xf32>
    %broadcast_in_dim3A_114 = vector.broadcast %add3A_47 : f32 to vector<128x128xf32>
    %select_n3A_115 = arith.select %ge3A, %broadcast_in_dim3A, %broadcast_in_dim3A_114 : vector<128x128xi1>, vector<128x128xf32>
    %ge3A_116 = arith.cmpf oge, %slice3A_48, %slice3A_56 : vector<128x128xf32>
    %select_n3A_117 = arith.select %ge3A_116, %slice3A_48, %slice3A_56 : vector<128x128xi1>, vector<128x128xf32>
    %select_n3A_118 = arith.select %ge3A_116, %slice3A_49, %slice3A_57 : vector<128x128xi1>, vector<128x128xf32>
    %broadcast_in_dim3A_119 = vector.broadcast %add3A_55 : f32 to vector<128x128xf32>
    %broadcast_in_dim3A_120 = vector.broadcast %add3A_63 : f32 to vector<128x128xf32>
    %select_n3A_121 = arith.select %ge3A_116, %broadcast_in_dim3A_119, %broadcast_in_dim3A_120 : vector<128x128xi1>, vector<128x128xf32>
    %ge3A_122 = arith.cmpf oge, %slice3A_64, %slice3A_72 : vector<128x128xf32>
    %select_n3A_123 = arith.select %ge3A_122, %slice3A_64, %slice3A_72 : vector<128x128xi1>, vector<128x128xf32>
    %select_n3A_124 = arith.select %ge3A_122, %slice3A_65, %slice3A_73 : vector<128x128xi1>, vector<128x128xf32>
    %broadcast_in_dim3A_125 = vector.broadcast %add3A_71 : f32 to vector<128x128xf32>
    %broadcast_in_dim3A_126 = vector.broadcast %add3A_79 : f32 to vector<128x128xf32>
    %select_n3A_127 = arith.select %ge3A_122, %broadcast_in_dim3A_125, %broadcast_in_dim3A_126 : vector<128x128xi1>, vector<128x128xf32>
    %ge3A_128 = arith.cmpf oge, %slice3A_80, %slice3A_88 : vector<128x128xf32>
    %select_n3A_129 = arith.select %ge3A_128, %slice3A_80, %slice3A_88 : vector<128x128xi1>, vector<128x128xf32>
    %select_n3A_130 = arith.select %ge3A_128, %slice3A_81, %slice3A_89 : vector<128x128xi1>, vector<128x128xf32>
    %broadcast_in_dim3A_131 = vector.broadcast %add3A_87 : f32 to vector<128x128xf32>
    %broadcast_in_dim3A_132 = vector.broadcast %add3A_95 : f32 to vector<128x128xf32>
    %select_n3A_133 = arith.select %ge3A_128, %broadcast_in_dim3A_131, %broadcast_in_dim3A_132 : vector<128x128xi1>, vector<128x128xf32>
    %ge3A_134 = arith.cmpf oge, %slice3A_96, %slice3A_104 : vector<128x128xf32>
    %select_n3A_135 = arith.select %ge3A_134, %slice3A_96, %slice3A_104 : vector<128x128xi1>, vector<128x128xf32>
    %select_n3A_136 = arith.select %ge3A_134, %slice3A_97, %slice3A_105 : vector<128x128xi1>, vector<128x128xf32>
    %broadcast_in_dim3A_137 = vector.broadcast %add3A_103 : f32 to vector<128x128xf32>
    %broadcast_in_dim3A_138 = vector.broadcast %add3A_111 : f32 to vector<128x128xf32>
    %select_n3A_139 = arith.select %ge3A_134, %broadcast_in_dim3A_137, %broadcast_in_dim3A_138 : vector<128x128xi1>, vector<128x128xf32>
    %ge3A_140 = arith.cmpf oge, %select_n3A_112, %select_n3A_117 : vector<128x128xf32>
    %select_n3A_141 = arith.select %ge3A_140, %select_n3A_112, %select_n3A_117 : vector<128x128xi1>, vector<128x128xf32>
    %select_n3A_142 = arith.select %ge3A_140, %select_n3A_113, %select_n3A_118 : vector<128x128xi1>, vector<128x128xf32>
    %select_n3A_143 = arith.select %ge3A_140, %select_n3A_115, %select_n3A_121 : vector<128x128xi1>, vector<128x128xf32>
    %ge3A_144 = arith.cmpf oge, %select_n3A_123, %select_n3A_129 : vector<128x128xf32>
    %select_n3A_145 = arith.select %ge3A_144, %select_n3A_123, %select_n3A_129 : vector<128x128xi1>, vector<128x128xf32>
    %select_n3A_146 = arith.select %ge3A_144, %select_n3A_124, %select_n3A_130 : vector<128x128xi1>, vector<128x128xf32>
    %select_n3A_147 = arith.select %ge3A_144, %select_n3A_127, %select_n3A_133 : vector<128x128xi1>, vector<128x128xf32>
    %ge3A_148 = arith.cmpf oge, %select_n3A_141, %select_n3A_145 : vector<128x128xf32>
    %select_n3A_149 = arith.select %ge3A_148, %select_n3A_141, %select_n3A_145 : vector<128x128xi1>, vector<128x128xf32>
    %select_n3A_150 = arith.select %ge3A_148, %select_n3A_142, %select_n3A_146 : vector<128x128xi1>, vector<128x128xf32>
    %select_n3A_151 = arith.select %ge3A_148, %select_n3A_143, %select_n3A_147 : vector<128x128xi1>, vector<128x128xf32>
    %ge3A_152 = arith.cmpf oge, %select_n3A_149, %select_n3A_135 : vector<128x128xf32>
    %select_n3A_153 = arith.select %ge3A_152, %select_n3A_149, %select_n3A_135 : vector<128x128xi1>, vector<128x128xf32>
    %select_n3A_154 = arith.select %ge3A_152, %select_n3A_150, %select_n3A_136 : vector<128x128xi1>, vector<128x128xf32>
    %select_n3A_155 = arith.select %ge3A_152, %select_n3A_151, %select_n3A_139 : vector<128x128xi1>, vector<128x128xf32>
    %gt3A = arith.cmpf ogt, %select_n3A_153, %get3A_14 : vector<128x128xf32>
    %select_n3A_156 = arith.select %gt3A, %select_n3A_153, %get3A_14 : vector<128x128xi1>, vector<128x128xf32>
    %select_n3A_157 = arith.select %gt3A, %select_n3A_154, %get3A_17 : vector<128x128xi1>, vector<128x128xf32>
    %select_n3A_158 = arith.select %gt3A, %select_n3A_155, %get3A_20 : vector<128x128xi1>, vector<128x128xf32>
    %get3A_159 = arith.constant 1280 : index
    %get3A_160 = arith.constant 0 : index
    %get3A_161 = vector.load %arg21[%get3A_159, %get3A_160] : memref<6400x128xf32, #tpu.memory_space<vmem>>, vector<1280x128xf32>
    %convert_element_type3A_162 = arith.truncf %get3A_161 : vector<1280x128xf32> to vector<1280x128xbf16>
    %dot_general3A_163 = arith.constant dense<0.000000e+00> : vector<128x1280xf32>
    %dot_general3A_164 = tpu.matmul %convert_element_type3A_4, %convert_element_type3A_162, %dot_general3A_163 {dimension_numbers = #tpu.dot_dimension_numbers<[1], [1], [0], [0], [0, 0, 1, 0], [], []>, transpose_lhs_hint = false} : vector<128x128xbf16>, vector<1280x128xbf16>, vector<128x1280xf32> -> vector<128x1280xf32>
    %dot_general3A_165 = arith.constant dense<0.000000e+00> : vector<128x1280xf32>
    %dot_general3A_166 = tpu.matmul %convert_element_type3A_8, %convert_element_type3A_162, %dot_general3A_165 {dimension_numbers = #tpu.dot_dimension_numbers<[1], [1], [0], [0], [0, 0, 1, 0], [], []>, transpose_lhs_hint = false} : vector<128x128xbf16>, vector<1280x128xbf16>, vector<128x1280xf32> -> vector<128x1280xf32>
    %slice3A_167 = vector.extract_strided_slice %dot_general3A_164 {offsets = [0, 0], sizes = [128, 128], strides = [1, 1]} : vector<128x1280xf32> to vector<128x128xf32>
    %slice3A_168 = vector.extract_strided_slice %dot_general3A_166 {offsets = [0, 0], sizes = [128, 128], strides = [1, 1]} : vector<128x1280xf32> to vector<128x128xf32>
    %add3A_169 = arith.constant 0.000000e+00 : f32
    %add3A_170 = arith.addf %convert_element_type3A_11, %add3A_169 : f32
    %mul3A_171 = arith.constant 5.000000e+01 : f32
    %mul3A_172 = arith.mulf %add3A_170, %mul3A_171 : f32
    %add3A_173 = arith.constant 1.000000e+01 : f32
    %add3A_174 = arith.addf %mul3A_172, %add3A_173 : f32
    %slice3A_175 = vector.extract_strided_slice %dot_general3A_164 {offsets = [0, 128], sizes = [128, 128], strides = [1, 1]} : vector<128x1280xf32> to vector<128x128xf32>
    %slice3A_176 = vector.extract_strided_slice %dot_general3A_166 {offsets = [0, 128], sizes = [128, 128], strides = [1, 1]} : vector<128x1280xf32> to vector<128x128xf32>
    %add3A_177 = arith.constant 0.000000e+00 : f32
    %add3A_178 = arith.addf %convert_element_type3A_11, %add3A_177 : f32
    %mul3A_179 = arith.constant 5.000000e+01 : f32
    %mul3A_180 = arith.mulf %add3A_178, %mul3A_179 : f32
    %add3A_181 = arith.constant 1.100000e+01 : f32
    %add3A_182 = arith.addf %mul3A_180, %add3A_181 : f32
    %slice3A_183 = vector.extract_strided_slice %dot_general3A_164 {offsets = [0, 256], sizes = [128, 128], strides = [1, 1]} : vector<128x1280xf32> to vector<128x128xf32>
    %slice3A_184 = vector.extract_strided_slice %dot_general3A_166 {offsets = [0, 256], sizes = [128, 128], strides = [1, 1]} : vector<128x1280xf32> to vector<128x128xf32>
    %add3A_185 = arith.constant 0.000000e+00 : f32
    %add3A_186 = arith.addf %convert_element_type3A_11, %add3A_185 : f32
    %mul3A_187 = arith.constant 5.000000e+01 : f32
    %mul3A_188 = arith.mulf %add3A_186, %mul3A_187 : f32
    %add3A_189 = arith.constant 1.200000e+01 : f32
    %add3A_190 = arith.addf %mul3A_188, %add3A_189 : f32
    %slice3A_191 = vector.extract_strided_slice %dot_general3A_164 {offsets = [0, 384], sizes = [128, 128], strides = [1, 1]} : vector<128x1280xf32> to vector<128x128xf32>
    %slice3A_192 = vector.extract_strided_slice %dot_general3A_166 {offsets = [0, 384], sizes = [128, 128], strides = [1, 1]} : vector<128x1280xf32> to vector<128x128xf32>
    %add3A_193 = arith.constant 0.000000e+00 : f32
    %add3A_194 = arith.addf %convert_element_type3A_11, %add3A_193 : f32
    %mul3A_195 = arith.constant 5.000000e+01 : f32
    %mul3A_196 = arith.mulf %add3A_194, %mul3A_195 : f32
    %add3A_197 = arith.constant 1.300000e+01 : f32
    %add3A_198 = arith.addf %mul3A_196, %add3A_197 : f32
    %slice3A_199 = vector.extract_strided_slice %dot_general3A_164 {offsets = [0, 512], sizes = [128, 128], strides = [1, 1]} : vector<128x1280xf32> to vector<128x128xf32>
    %slice3A_200 = vector.extract_strided_slice %dot_general3A_166 {offsets = [0, 512], sizes = [128, 128], strides = [1, 1]} : vector<128x1280xf32> to vector<128x128xf32>
    %add3A_201 = arith.constant 0.000000e+00 : f32
    %add3A_202 = arith.addf %convert_element_type3A_11, %add3A_201 : f32
    %mul3A_203 = arith.constant 5.000000e+01 : f32
    %mul3A_204 = arith.mulf %add3A_202, %mul3A_203 : f32
    %add3A_205 = arith.constant 1.400000e+01 : f32
    %add3A_206 = arith.addf %mul3A_204, %add3A_205 : f32
    %slice3A_207 = vector.extract_strided_slice %dot_general3A_164 {offsets = [0, 640], sizes = [128, 128], strides = [1, 1]} : vector<128x1280xf32> to vector<128x128xf32>
    %slice3A_208 = vector.extract_strided_slice %dot_general3A_166 {offsets = [0, 640], sizes = [128, 128], strides = [1, 1]} : vector<128x1280xf32> to vector<128x128xf32>
    %add3A_209 = arith.constant 0.000000e+00 : f32
    %add3A_210 = arith.addf %convert_element_type3A_11, %add3A_209 : f32
    %mul3A_211 = arith.constant 5.000000e+01 : f32
    %mul3A_212 = arith.mulf %add3A_210, %mul3A_211 : f32
    %add3A_213 = arith.constant 1.500000e+01 : f32
    %add3A_214 = arith.addf %mul3A_212, %add3A_213 : f32
    %slice3A_215 = vector.extract_strided_slice %dot_general3A_164 {offsets = [0, 768], sizes = [128, 128], strides = [1, 1]} : vector<128x1280xf32> to vector<128x128xf32>
    %slice3A_216 = vector.extract_strided_slice %dot_general3A_166 {offsets = [0, 768], sizes = [128, 128], strides = [1, 1]} : vector<128x1280xf32> to vector<128x128xf32>
    %add3A_217 = arith.constant 0.000000e+00 : f32
    %add3A_218 = arith.addf %convert_element_type3A_11, %add3A_217 : f32
    %mul3A_219 = arith.constant 5.000000e+01 : f32
    %mul3A_220 = arith.mulf %add3A_218, %mul3A_219 : f32
    %add3A_221 = arith.constant 1.600000e+01 : f32
    %add3A_222 = arith.addf %mul3A_220, %add3A_221 : f32
    %slice3A_223 = vector.extract_strided_slice %dot_general3A_164 {offsets = [0, 896], sizes = [128, 128], strides = [1, 1]} : vector<128x1280xf32> to vector<128x128xf32>
    %slice3A_224 = vector.extract_strided_slice %dot_general3A_166 {offsets = [0, 896], sizes = [128, 128], strides = [1, 1]} : vector<128x1280xf32> to vector<128x128xf32>
    %add3A_225 = arith.constant 0.000000e+00 : f32
    %add3A_226 = arith.addf %convert_element_type3A_11, %add3A_225 : f32
    %mul3A_227 = arith.constant 5.000000e+01 : f32
    %mul3A_228 = arith.mulf %add3A_226, %mul3A_227 : f32
    %add3A_229 = arith.constant 1.700000e+01 : f32
    %add3A_230 = arith.addf %mul3A_228, %add3A_229 : f32
    %slice3A_231 = vector.extract_strided_slice %dot_general3A_164 {offsets = [0, 1024], sizes = [128, 128], strides = [1, 1]} : vector<128x1280xf32> to vector<128x128xf32>
    %slice3A_232 = vector.extract_strided_slice %dot_general3A_166 {offsets = [0, 1024], sizes = [128, 128], strides = [1, 1]} : vector<128x1280xf32> to vector<128x128xf32>
    %add3A_233 = arith.constant 0.000000e+00 : f32
    %add3A_234 = arith.addf %convert_element_type3A_11, %add3A_233 : f32
    %mul3A_235 = arith.constant 5.000000e+01 : f32
    %mul3A_236 = arith.mulf %add3A_234, %mul3A_235 : f32
    %add3A_237 = arith.constant 1.800000e+01 : f32
    %add3A_238 = arith.addf %mul3A_236, %add3A_237 : f32
    %slice3A_239 = vector.extract_strided_slice %dot_general3A_164 {offsets = [0, 1152], sizes = [128, 128], strides = [1, 1]} : vector<128x1280xf32> to vector<128x128xf32>
    %slice3A_240 = vector.extract_strided_slice %dot_general3A_166 {offsets = [0, 1152], sizes = [128, 128], strides = [1, 1]} : vector<128x1280xf32> to vector<128x128xf32>
    %add3A_241 = arith.constant 0.000000e+00 : f32
    %add3A_242 = arith.addf %convert_element_type3A_11, %add3A_241 : f32
    %mul3A_243 = arith.constant 5.000000e+01 : f32
    %mul3A_244 = arith.mulf %add3A_242, %mul3A_243 : f32
    %add3A_245 = arith.constant 1.900000e+01 : f32
    %add3A_246 = arith.addf %mul3A_244, %add3A_245 : f32
    %ge3A_247 = arith.cmpf oge, %slice3A_167, %slice3A_175 : vector<128x128xf32>
    %select_n3A_248 = arith.select %ge3A_247, %slice3A_167, %slice3A_175 : vector<128x128xi1>, vector<128x128xf32>
    %select_n3A_249 = arith.select %ge3A_247, %slice3A_168, %slice3A_176 : vector<128x128xi1>, vector<128x128xf32>
    %broadcast_in_dim3A_250 = vector.broadcast %add3A_174 : f32 to vector<128x128xf32>
    %broadcast_in_dim3A_251 = vector.broadcast %add3A_182 : f32 to vector<128x128xf32>
    %select_n3A_252 = arith.select %ge3A_247, %broadcast_in_dim3A_250, %broadcast_in_dim3A_251 : vector<128x128xi1>, vector<128x128xf32>
    %ge3A_253 = arith.cmpf oge, %slice3A_183, %slice3A_191 : vector<128x128xf32>
    %select_n3A_254 = arith.select %ge3A_253, %slice3A_183, %slice3A_191 : vector<128x128xi1>, vector<128x128xf32>
    %select_n3A_255 = arith.select %ge3A_253, %slice3A_184, %slice3A_192 : vector<128x128xi1>, vector<128x128xf32>
    %broadcast_in_dim3A_256 = vector.broadcast %add3A_190 : f32 to vector<128x128xf32>
    %broadcast_in_dim3A_257 = vector.broadcast %add3A_198 : f32 to vector<128x128xf32>
    %select_n3A_258 = arith.select %ge3A_253, %broadcast_in_dim3A_256, %broadcast_in_dim3A_257 : vector<128x128xi1>, vector<128x128xf32>
    %ge3A_259 = arith.cmpf oge, %slice3A_199, %slice3A_207 : vector<128x128xf32>
    %select_n3A_260 = arith.select %ge3A_259, %slice3A_199, %slice3A_207 : vector<128x128xi1>, vector<128x128xf32>
    %select_n3A_261 = arith.select %ge3A_259, %slice3A_200, %slice3A_208 : vector<128x128xi1>, vector<128x128xf32>
    %broadcast_in_dim3A_262 = vector.broadcast %add3A_206 : f32 to vector<128x128xf32>
    %broadcast_in_dim3A_263 = vector.broadcast %add3A_214 : f32 to vector<128x128xf32>
    %select_n3A_264 = arith.select %ge3A_259, %broadcast_in_dim3A_262, %broadcast_in_dim3A_263 : vector<128x128xi1>, vector<128x128xf32>
    %ge3A_265 = arith.cmpf oge, %slice3A_215, %slice3A_223 : vector<128x128xf32>
    %select_n3A_266 = arith.select %ge3A_265, %slice3A_215, %slice3A_223 : vector<128x128xi1>, vector<128x128xf32>
    %select_n3A_267 = arith.select %ge3A_265, %slice3A_216, %slice3A_224 : vector<128x128xi1>, vector<128x128xf32>
    %broadcast_in_dim3A_268 = vector.broadcast %add3A_222 : f32 to vector<128x128xf32>
    %broadcast_in_dim3A_269 = vector.broadcast %add3A_230 : f32 to vector<128x128xf32>
    %select_n3A_270 = arith.select %ge3A_265, %broadcast_in_dim3A_268, %broadcast_in_dim3A_269 : vector<128x128xi1>, vector<128x128xf32>
    %ge3A_271 = arith.cmpf oge, %slice3A_231, %slice3A_239 : vector<128x128xf32>
    %select_n3A_272 = arith.select %ge3A_271, %slice3A_231, %slice3A_239 : vector<128x128xi1>, vector<128x128xf32>
    %select_n3A_273 = arith.select %ge3A_271, %slice3A_232, %slice3A_240 : vector<128x128xi1>, vector<128x128xf32>
    %broadcast_in_dim3A_274 = vector.broadcast %add3A_238 : f32 to vector<128x128xf32>
    %broadcast_in_dim3A_275 = vector.broadcast %add3A_246 : f32 to vector<128x128xf32>
    %select_n3A_276 = arith.select %ge3A_271, %broadcast_in_dim3A_274, %broadcast_in_dim3A_275 : vector<128x128xi1>, vector<128x128xf32>
    %ge3A_277 = arith.cmpf oge, %select_n3A_248, %select_n3A_254 : vector<128x128xf32>
    %select_n3A_278 = arith.select %ge3A_277, %select_n3A_248, %select_n3A_254 : vector<128x128xi1>, vector<128x128xf32>
    %select_n3A_279 = arith.select %ge3A_277, %select_n3A_249, %select_n3A_255 : vector<128x128xi1>, vector<128x128xf32>
    %select_n3A_280 = arith.select %ge3A_277, %select_n3A_252, %select_n3A_258 : vector<128x128xi1>, vector<128x128xf32>
    %ge3A_281 = arith.cmpf oge, %select_n3A_260, %select_n3A_266 : vector<128x128xf32>
    %select_n3A_282 = arith.select %ge3A_281, %select_n3A_260, %select_n3A_266 : vector<128x128xi1>, vector<128x128xf32>
    %select_n3A_283 = arith.select %ge3A_281, %select_n3A_261, %select_n3A_267 : vector<128x128xi1>, vector<128x128xf32>
    %select_n3A_284 = arith.select %ge3A_281, %select_n3A_264, %select_n3A_270 : vector<128x128xi1>, vector<128x128xf32>
    %ge3A_285 = arith.cmpf oge, %select_n3A_278, %select_n3A_282 : vector<128x128xf32>
    %select_n3A_286 = arith.select %ge3A_285, %select_n3A_278, %select_n3A_282 : vector<128x128xi1>, vector<128x128xf32>
    %select_n3A_287 = arith.select %ge3A_285, %select_n3A_279, %select_n3A_283 : vector<128x128xi1>, vector<128x128xf32>
    %select_n3A_288 = arith.select %ge3A_285, %select_n3A_280, %select_n3A_284 : vector<128x128xi1>, vector<128x128xf32>
    %ge3A_289 = arith.cmpf oge, %select_n3A_286, %select_n3A_272 : vector<128x128xf32>
    %select_n3A_290 = arith.select %ge3A_289, %select_n3A_286, %select_n3A_272 : vector<128x128xi1>, vector<128x128xf32>
    %select_n3A_291 = arith.select %ge3A_289, %select_n3A_287, %select_n3A_273 : vector<128x128xi1>, vector<128x128xf32>
    %select_n3A_292 = arith.select %ge3A_289, %select_n3A_288, %select_n3A_276 : vector<128x128xi1>, vector<128x128xf32>
    %gt3A_293 = arith.cmpf ogt, %select_n3A_290, %select_n3A_156 : vector<128x128xf32>
    %select_n3A_294 = arith.select %gt3A_293, %select_n3A_290, %select_n3A_156 : vector<128x128xi1>, vector<128x128xf32>
    %select_n3A_295 = arith.select %gt3A_293, %select_n3A_291, %select_n3A_157 : vector<128x128xi1>, vector<128x128xf32>
    %select_n3A_296 = arith.select %gt3A_293, %select_n3A_292, %select_n3A_158 : vector<128x128xi1>, vector<128x128xf32>
    %get3A_297 = arith.constant 2560 : index
    %get3A_298 = arith.constant 0 : index
    %get3A_299 = vector.load %arg21[%get3A_297, %get3A_298] : memref<6400x128xf32, #tpu.memory_space<vmem>>, vector<1280x128xf32>
    %convert_element_type3A_300 = arith.truncf %get3A_299 : vector<1280x128xf32> to vector<1280x128xbf16>
    %dot_general3A_301 = arith.constant dense<0.000000e+00> : vector<128x1280xf32>
    %dot_general3A_302 = tpu.matmul %convert_element_type3A_4, %convert_element_type3A_300, %dot_general3A_301 {dimension_numbers = #tpu.dot_dimension_numbers<[1], [1], [0], [0], [0, 0, 1, 0], [], []>, transpose_lhs_hint = false} : vector<128x128xbf16>, vector<1280x128xbf16>, vector<128x1280xf32> -> vector<128x1280xf32>
    %dot_general3A_303 = arith.constant dense<0.000000e+00> : vector<128x1280xf32>
    %dot_general3A_304 = tpu.matmul %convert_element_type3A_8, %convert_element_type3A_300, %dot_general3A_303 {dimension_numbers = #tpu.dot_dimension_numbers<[1], [1], [0], [0], [0, 0, 1, 0], [], []>, transpose_lhs_hint = false} : vector<128x128xbf16>, vector<1280x128xbf16>, vector<128x1280xf32> -> vector<128x1280xf32>
    %slice3A_305 = vector.extract_strided_slice %dot_general3A_302 {offsets = [0, 0], sizes = [128, 128], strides = [1, 1]} : vector<128x1280xf32> to vector<128x128xf32>
    %slice3A_306 = vector.extract_strided_slice %dot_general3A_304 {offsets = [0, 0], sizes = [128, 128], strides = [1, 1]} : vector<128x1280xf32> to vector<128x128xf32>
    %add3A_307 = arith.constant 0.000000e+00 : f32
    %add3A_308 = arith.addf %convert_element_type3A_11, %add3A_307 : f32
    %mul3A_309 = arith.constant 5.000000e+01 : f32
    %mul3A_310 = arith.mulf %add3A_308, %mul3A_309 : f32
    %add3A_311 = arith.constant 2.000000e+01 : f32
    %add3A_312 = arith.addf %mul3A_310, %add3A_311 : f32
    %slice3A_313 = vector.extract_strided_slice %dot_general3A_302 {offsets = [0, 128], sizes = [128, 128], strides = [1, 1]} : vector<128x1280xf32> to vector<128x128xf32>
    %slice3A_314 = vector.extract_strided_slice %dot_general3A_304 {offsets = [0, 128], sizes = [128, 128], strides = [1, 1]} : vector<128x1280xf32> to vector<128x128xf32>
    %add3A_315 = arith.constant 0.000000e+00 : f32
    %add3A_316 = arith.addf %convert_element_type3A_11, %add3A_315 : f32
    %mul3A_317 = arith.constant 5.000000e+01 : f32
    %mul3A_318 = arith.mulf %add3A_316, %mul3A_317 : f32
    %add3A_319 = arith.constant 2.100000e+01 : f32
    %add3A_320 = arith.addf %mul3A_318, %add3A_319 : f32
    %slice3A_321 = vector.extract_strided_slice %dot_general3A_302 {offsets = [0, 256], sizes = [128, 128], strides = [1, 1]} : vector<128x1280xf32> to vector<128x128xf32>
    %slice3A_322 = vector.extract_strided_slice %dot_general3A_304 {offsets = [0, 256], sizes = [128, 128], strides = [1, 1]} : vector<128x1280xf32> to vector<128x128xf32>
    %add3A_323 = arith.constant 0.000000e+00 : f32
    %add3A_324 = arith.addf %convert_element_type3A_11, %add3A_323 : f32
    %mul3A_325 = arith.constant 5.000000e+01 : f32
    %mul3A_326 = arith.mulf %add3A_324, %mul3A_325 : f32
    %add3A_327 = arith.constant 2.200000e+01 : f32
    %add3A_328 = arith.addf %mul3A_326, %add3A_327 : f32
    %slice3A_329 = vector.extract_strided_slice %dot_general3A_302 {offsets = [0, 384], sizes = [128, 128], strides = [1, 1]} : vector<128x1280xf32> to vector<128x128xf32>
    %slice3A_330 = vector.extract_strided_slice %dot_general3A_304 {offsets = [0, 384], sizes = [128, 128], strides = [1, 1]} : vector<128x1280xf32> to vector<128x128xf32>
    %add3A_331 = arith.constant 0.000000e+00 : f32
    %add3A_332 = arith.addf %convert_element_type3A_11, %add3A_331 : f32
    %mul3A_333 = arith.constant 5.000000e+01 : f32
    %mul3A_334 = arith.mulf %add3A_332, %mul3A_333 : f32
    %add3A_335 = arith.constant 2.300000e+01 : f32
    %add3A_336 = arith.addf %mul3A_334, %add3A_335 : f32
    %slice3A_337 = vector.extract_strided_slice %dot_general3A_302 {offsets = [0, 512], sizes = [128, 128], strides = [1, 1]} : vector<128x1280xf32> to vector<128x128xf32>
    %slice3A_338 = vector.extract_strided_slice %dot_general3A_304 {offsets = [0, 512], sizes = [128, 128], strides = [1, 1]} : vector<128x1280xf32> to vector<128x128xf32>
    %add3A_339 = arith.constant 0.000000e+00 : f32
    %add3A_340 = arith.addf %convert_element_type3A_11, %add3A_339 : f32
    %mul3A_341 = arith.constant 5.000000e+01 : f32
    %mul3A_342 = arith.mulf %add3A_340, %mul3A_341 : f32
    %add3A_343 = arith.constant 2.400000e+01 : f32
    %add3A_344 = arith.addf %mul3A_342, %add3A_343 : f32
    %slice3A_345 = vector.extract_strided_slice %dot_general3A_302 {offsets = [0, 640], sizes = [128, 128], strides = [1, 1]} : vector<128x1280xf32> to vector<128x128xf32>
    %slice3A_346 = vector.extract_strided_slice %dot_general3A_304 {offsets = [0, 640], sizes = [128, 128], strides = [1, 1]} : vector<128x1280xf32> to vector<128x128xf32>
    %add3A_347 = arith.constant 0.000000e+00 : f32
    %add3A_348 = arith.addf %convert_element_type3A_11, %add3A_347 : f32
    %mul3A_349 = arith.constant 5.000000e+01 : f32
    %mul3A_350 = arith.mulf %add3A_348, %mul3A_349 : f32
    %add3A_351 = arith.constant 2.500000e+01 : f32
    %add3A_352 = arith.addf %mul3A_350, %add3A_351 : f32
    %slice3A_353 = vector.extract_strided_slice %dot_general3A_302 {offsets = [0, 768], sizes = [128, 128], strides = [1, 1]} : vector<128x1280xf32> to vector<128x128xf32>
    %slice3A_354 = vector.extract_strided_slice %dot_general3A_304 {offsets = [0, 768], sizes = [128, 128], strides = [1, 1]} : vector<128x1280xf32> to vector<128x128xf32>
    %add3A_355 = arith.constant 0.000000e+00 : f32
    %add3A_356 = arith.addf %convert_element_type3A_11, %add3A_355 : f32
    %mul3A_357 = arith.constant 5.000000e+01 : f32
    %mul3A_358 = arith.mulf %add3A_356, %mul3A_357 : f32
    %add3A_359 = arith.constant 2.600000e+01 : f32
    %add3A_360 = arith.addf %mul3A_358, %add3A_359 : f32
    %slice3A_361 = vector.extract_strided_slice %dot_general3A_302 {offsets = [0, 896], sizes = [128, 128], strides = [1, 1]} : vector<128x1280xf32> to vector<128x128xf32>
    %slice3A_362 = vector.extract_strided_slice %dot_general3A_304 {offsets = [0, 896], sizes = [128, 128], strides = [1, 1]} : vector<128x1280xf32> to vector<128x128xf32>
    %add3A_363 = arith.constant 0.000000e+00 : f32
    %add3A_364 = arith.addf %convert_element_type3A_11, %add3A_363 : f32
    %mul3A_365 = arith.constant 5.000000e+01 : f32
    %mul3A_366 = arith.mulf %add3A_364, %mul3A_365 : f32
    %add3A_367 = arith.constant 2.700000e+01 : f32
    %add3A_368 = arith.addf %mul3A_366, %add3A_367 : f32
    %slice3A_369 = vector.extract_strided_slice %dot_general3A_302 {offsets = [0, 1024], sizes = [128, 128], strides = [1, 1]} : vector<128x1280xf32> to vector<128x128xf32>
    %slice3A_370 = vector.extract_strided_slice %dot_general3A_304 {offsets = [0, 1024], sizes = [128, 128], strides = [1, 1]} : vector<128x1280xf32> to vector<128x128xf32>
    %add3A_371 = arith.constant 0.000000e+00 : f32
    %add3A_372 = arith.addf %convert_element_type3A_11, %add3A_371 : f32
    %mul3A_373 = arith.constant 5.000000e+01 : f32
    %mul3A_374 = arith.mulf %add3A_372, %mul3A_373 : f32
    %add3A_375 = arith.constant 2.800000e+01 : f32
    %add3A_376 = arith.addf %mul3A_374, %add3A_375 : f32
    %slice3A_377 = vector.extract_strided_slice %dot_general3A_302 {offsets = [0, 1152], sizes = [128, 128], strides = [1, 1]} : vector<128x1280xf32> to vector<128x128xf32>
    %slice3A_378 = vector.extract_strided_slice %dot_general3A_304 {offsets = [0, 1152], sizes = [128, 128], strides = [1, 1]} : vector<128x1280xf32> to vector<128x128xf32>
    %add3A_379 = arith.constant 0.000000e+00 : f32
    %add3A_380 = arith.addf %convert_element_type3A_11, %add3A_379 : f32
    %mul3A_381 = arith.constant 5.000000e+01 : f32
    %mul3A_382 = arith.mulf %add3A_380, %mul3A_381 : f32
    %add3A_383 = arith.constant 2.900000e+01 : f32
    %add3A_384 = arith.addf %mul3A_382, %add3A_383 : f32
    %ge3A_385 = arith.cmpf oge, %slice3A_305, %slice3A_313 : vector<128x128xf32>
    %select_n3A_386 = arith.select %ge3A_385, %slice3A_305, %slice3A_313 : vector<128x128xi1>, vector<128x128xf32>
    %select_n3A_387 = arith.select %ge3A_385, %slice3A_306, %slice3A_314 : vector<128x128xi1>, vector<128x128xf32>
    %broadcast_in_dim3A_388 = vector.broadcast %add3A_312 : f32 to vector<128x128xf32>
    %broadcast_in_dim3A_389 = vector.broadcast %add3A_320 : f32 to vector<128x128xf32>
    %select_n3A_390 = arith.select %ge3A_385, %broadcast_in_dim3A_388, %broadcast_in_dim3A_389 : vector<128x128xi1>, vector<128x128xf32>
    %ge3A_391 = arith.cmpf oge, %slice3A_321, %slice3A_329 : vector<128x128xf32>
    %select_n3A_392 = arith.select %ge3A_391, %slice3A_321, %slice3A_329 : vector<128x128xi1>, vector<128x128xf32>
    %select_n3A_393 = arith.select %ge3A_391, %slice3A_322, %slice3A_330 : vector<128x128xi1>, vector<128x128xf32>
    %broadcast_in_dim3A_394 = vector.broadcast %add3A_328 : f32 to vector<128x128xf32>
    %broadcast_in_dim3A_395 = vector.broadcast %add3A_336 : f32 to vector<128x128xf32>
    %select_n3A_396 = arith.select %ge3A_391, %broadcast_in_dim3A_394, %broadcast_in_dim3A_395 : vector<128x128xi1>, vector<128x128xf32>
    %ge3A_397 = arith.cmpf oge, %slice3A_337, %slice3A_345 : vector<128x128xf32>
    %select_n3A_398 = arith.select %ge3A_397, %slice3A_337, %slice3A_345 : vector<128x128xi1>, vector<128x128xf32>
    %select_n3A_399 = arith.select %ge3A_397, %slice3A_338, %slice3A_346 : vector<128x128xi1>, vector<128x128xf32>
    %broadcast_in_dim3A_400 = vector.broadcast %add3A_344 : f32 to vector<128x128xf32>
    %broadcast_in_dim3A_401 = vector.broadcast %add3A_352 : f32 to vector<128x128xf32>
    %select_n3A_402 = arith.select %ge3A_397, %broadcast_in_dim3A_400, %broadcast_in_dim3A_401 : vector<128x128xi1>, vector<128x128xf32>
    %ge3A_403 = arith.cmpf oge, %slice3A_353, %slice3A_361 : vector<128x128xf32>
    %select_n3A_404 = arith.select %ge3A_403, %slice3A_353, %slice3A_361 : vector<128x128xi1>, vector<128x128xf32>
    %select_n3A_405 = arith.select %ge3A_403, %slice3A_354, %slice3A_362 : vector<128x128xi1>, vector<128x128xf32>
    %broadcast_in_dim3A_406 = vector.broadcast %add3A_360 : f32 to vector<128x128xf32>
    %broadcast_in_dim3A_407 = vector.broadcast %add3A_368 : f32 to vector<128x128xf32>
    %select_n3A_408 = arith.select %ge3A_403, %broadcast_in_dim3A_406, %broadcast_in_dim3A_407 : vector<128x128xi1>, vector<128x128xf32>
    %ge3A_409 = arith.cmpf oge, %slice3A_369, %slice3A_377 : vector<128x128xf32>
    %select_n3A_410 = arith.select %ge3A_409, %slice3A_369, %slice3A_377 : vector<128x128xi1>, vector<128x128xf32>
    %select_n3A_411 = arith.select %ge3A_409, %slice3A_370, %slice3A_378 : vector<128x128xi1>, vector<128x128xf32>
    %broadcast_in_dim3A_412 = vector.broadcast %add3A_376 : f32 to vector<128x128xf32>
    %broadcast_in_dim3A_413 = vector.broadcast %add3A_384 : f32 to vector<128x128xf32>
    %select_n3A_414 = arith.select %ge3A_409, %broadcast_in_dim3A_412, %broadcast_in_dim3A_413 : vector<128x128xi1>, vector<128x128xf32>
    %ge3A_415 = arith.cmpf oge, %select_n3A_386, %select_n3A_392 : vector<128x128xf32>
    %select_n3A_416 = arith.select %ge3A_415, %select_n3A_386, %select_n3A_392 : vector<128x128xi1>, vector<128x128xf32>
    %select_n3A_417 = arith.select %ge3A_415, %select_n3A_387, %select_n3A_393 : vector<128x128xi1>, vector<128x128xf32>
    %select_n3A_418 = arith.select %ge3A_415, %select_n3A_390, %select_n3A_396 : vector<128x128xi1>, vector<128x128xf32>
    %ge3A_419 = arith.cmpf oge, %select_n3A_398, %select_n3A_404 : vector<128x128xf32>
    %select_n3A_420 = arith.select %ge3A_419, %select_n3A_398, %select_n3A_404 : vector<128x128xi1>, vector<128x128xf32>
    %select_n3A_421 = arith.select %ge3A_419, %select_n3A_399, %select_n3A_405 : vector<128x128xi1>, vector<128x128xf32>
    %select_n3A_422 = arith.select %ge3A_419, %select_n3A_402, %select_n3A_408 : vector<128x128xi1>, vector<128x128xf32>
    %ge3A_423 = arith.cmpf oge, %select_n3A_416, %select_n3A_420 : vector<128x128xf32>
    %select_n3A_424 = arith.select %ge3A_423, %select_n3A_416, %select_n3A_420 : vector<128x128xi1>, vector<128x128xf32>
    %select_n3A_425 = arith.select %ge3A_423, %select_n3A_417, %select_n3A_421 : vector<128x128xi1>, vector<128x128xf32>
    %select_n3A_426 = arith.select %ge3A_423, %select_n3A_418, %select_n3A_422 : vector<128x128xi1>, vector<128x128xf32>
    %ge3A_427 = arith.cmpf oge, %select_n3A_424, %select_n3A_410 : vector<128x128xf32>
    %select_n3A_428 = arith.select %ge3A_427, %select_n3A_424, %select_n3A_410 : vector<128x128xi1>, vector<128x128xf32>
    %select_n3A_429 = arith.select %ge3A_427, %select_n3A_425, %select_n3A_411 : vector<128x128xi1>, vector<128x128xf32>
    %select_n3A_430 = arith.select %ge3A_427, %select_n3A_426, %select_n3A_414 : vector<128x128xi1>, vector<128x128xf32>
    %gt3A_431 = arith.cmpf ogt, %select_n3A_428, %select_n3A_294 : vector<128x128xf32>
    %select_n3A_432 = arith.select %gt3A_431, %select_n3A_428, %select_n3A_294 : vector<128x128xi1>, vector<128x128xf32>
    %select_n3A_433 = arith.select %gt3A_431, %select_n3A_429, %select_n3A_295 : vector<128x128xi1>, vector<128x128xf32>
    %select_n3A_434 = arith.select %gt3A_431, %select_n3A_430, %select_n3A_296 : vector<128x128xi1>, vector<128x128xf32>
    %get3A_435 = arith.constant 3840 : index
    %get3A_436 = arith.constant 0 : index
    %get3A_437 = vector.load %arg21[%get3A_435, %get3A_436] : memref<6400x128xf32, #tpu.memory_space<vmem>>, vector<1280x128xf32>
    %convert_element_type3A_438 = arith.truncf %get3A_437 : vector<1280x128xf32> to vector<1280x128xbf16>
    %dot_general3A_439 = arith.constant dense<0.000000e+00> : vector<128x1280xf32>
    %dot_general3A_440 = tpu.matmul %convert_element_type3A_4, %convert_element_type3A_438, %dot_general3A_439 {dimension_numbers = #tpu.dot_dimension_numbers<[1], [1], [0], [0], [0, 0, 1, 0], [], []>, transpose_lhs_hint = false} : vector<128x128xbf16>, vector<1280x128xbf16>, vector<128x1280xf32> -> vector<128x1280xf32>
    %dot_general3A_441 = arith.constant dense<0.000000e+00> : vector<128x1280xf32>
    %dot_general3A_442 = tpu.matmul %convert_element_type3A_8, %convert_element_type3A_438, %dot_general3A_441 {dimension_numbers = #tpu.dot_dimension_numbers<[1], [1], [0], [0], [0, 0, 1, 0], [], []>, transpose_lhs_hint = false} : vector<128x128xbf16>, vector<1280x128xbf16>, vector<128x1280xf32> -> vector<128x1280xf32>
    %slice3A_443 = vector.extract_strided_slice %dot_general3A_440 {offsets = [0, 0], sizes = [128, 128], strides = [1, 1]} : vector<128x1280xf32> to vector<128x128xf32>
    %slice3A_444 = vector.extract_strided_slice %dot_general3A_442 {offsets = [0, 0], sizes = [128, 128], strides = [1, 1]} : vector<128x1280xf32> to vector<128x128xf32>
    %add3A_445 = arith.constant 0.000000e+00 : f32
    %add3A_446 = arith.addf %convert_element_type3A_11, %add3A_445 : f32
    %mul3A_447 = arith.constant 5.000000e+01 : f32
    %mul3A_448 = arith.mulf %add3A_446, %mul3A_447 : f32
    %add3A_449 = arith.constant 3.000000e+01 : f32
    %add3A_450 = arith.addf %mul3A_448, %add3A_449 : f32
    %slice3A_451 = vector.extract_strided_slice %dot_general3A_440 {offsets = [0, 128], sizes = [128, 128], strides = [1, 1]} : vector<128x1280xf32> to vector<128x128xf32>
    %slice3A_452 = vector.extract_strided_slice %dot_general3A_442 {offsets = [0, 128], sizes = [128, 128], strides = [1, 1]} : vector<128x1280xf32> to vector<128x128xf32>
    %add3A_453 = arith.constant 0.000000e+00 : f32
    %add3A_454 = arith.addf %convert_element_type3A_11, %add3A_453 : f32
    %mul3A_455 = arith.constant 5.000000e+01 : f32
    %mul3A_456 = arith.mulf %add3A_454, %mul3A_455 : f32
    %add3A_457 = arith.constant 3.100000e+01 : f32
    %add3A_458 = arith.addf %mul3A_456, %add3A_457 : f32
    %slice3A_459 = vector.extract_strided_slice %dot_general3A_440 {offsets = [0, 256], sizes = [128, 128], strides = [1, 1]} : vector<128x1280xf32> to vector<128x128xf32>
    %slice3A_460 = vector.extract_strided_slice %dot_general3A_442 {offsets = [0, 256], sizes = [128, 128], strides = [1, 1]} : vector<128x1280xf32> to vector<128x128xf32>
    %add3A_461 = arith.constant 0.000000e+00 : f32
    %add3A_462 = arith.addf %convert_element_type3A_11, %add3A_461 : f32
    %mul3A_463 = arith.constant 5.000000e+01 : f32
    %mul3A_464 = arith.mulf %add3A_462, %mul3A_463 : f32
    %add3A_465 = arith.constant 3.200000e+01 : f32
    %add3A_466 = arith.addf %mul3A_464, %add3A_465 : f32
    %slice3A_467 = vector.extract_strided_slice %dot_general3A_440 {offsets = [0, 384], sizes = [128, 128], strides = [1, 1]} : vector<128x1280xf32> to vector<128x128xf32>
    %slice3A_468 = vector.extract_strided_slice %dot_general3A_442 {offsets = [0, 384], sizes = [128, 128], strides = [1, 1]} : vector<128x1280xf32> to vector<128x128xf32>
    %add3A_469 = arith.constant 0.000000e+00 : f32
    %add3A_470 = arith.addf %convert_element_type3A_11, %add3A_469 : f32
    %mul3A_471 = arith.constant 5.000000e+01 : f32
    %mul3A_472 = arith.mulf %add3A_470, %mul3A_471 : f32
    %add3A_473 = arith.constant 3.300000e+01 : f32
    %add3A_474 = arith.addf %mul3A_472, %add3A_473 : f32
    %slice3A_475 = vector.extract_strided_slice %dot_general3A_440 {offsets = [0, 512], sizes = [128, 128], strides = [1, 1]} : vector<128x1280xf32> to vector<128x128xf32>
    %slice3A_476 = vector.extract_strided_slice %dot_general3A_442 {offsets = [0, 512], sizes = [128, 128], strides = [1, 1]} : vector<128x1280xf32> to vector<128x128xf32>
    %add3A_477 = arith.constant 0.000000e+00 : f32
    %add3A_478 = arith.addf %convert_element_type3A_11, %add3A_477 : f32
    %mul3A_479 = arith.constant 5.000000e+01 : f32
    %mul3A_480 = arith.mulf %add3A_478, %mul3A_479 : f32
    %add3A_481 = arith.constant 3.400000e+01 : f32
    %add3A_482 = arith.addf %mul3A_480, %add3A_481 : f32
    %slice3A_483 = vector.extract_strided_slice %dot_general3A_440 {offsets = [0, 640], sizes = [128, 128], strides = [1, 1]} : vector<128x1280xf32> to vector<128x128xf32>
    %slice3A_484 = vector.extract_strided_slice %dot_general3A_442 {offsets = [0, 640], sizes = [128, 128], strides = [1, 1]} : vector<128x1280xf32> to vector<128x128xf32>
    %add3A_485 = arith.constant 0.000000e+00 : f32
    %add3A_486 = arith.addf %convert_element_type3A_11, %add3A_485 : f32
    %mul3A_487 = arith.constant 5.000000e+01 : f32
    %mul3A_488 = arith.mulf %add3A_486, %mul3A_487 : f32
    %add3A_489 = arith.constant 3.500000e+01 : f32
    %add3A_490 = arith.addf %mul3A_488, %add3A_489 : f32
    %slice3A_491 = vector.extract_strided_slice %dot_general3A_440 {offsets = [0, 768], sizes = [128, 128], strides = [1, 1]} : vector<128x1280xf32> to vector<128x128xf32>
    %slice3A_492 = vector.extract_strided_slice %dot_general3A_442 {offsets = [0, 768], sizes = [128, 128], strides = [1, 1]} : vector<128x1280xf32> to vector<128x128xf32>
    %add3A_493 = arith.constant 0.000000e+00 : f32
    %add3A_494 = arith.addf %convert_element_type3A_11, %add3A_493 : f32
    %mul3A_495 = arith.constant 5.000000e+01 : f32
    %mul3A_496 = arith.mulf %add3A_494, %mul3A_495 : f32
    %add3A_497 = arith.constant 3.600000e+01 : f32
    %add3A_498 = arith.addf %mul3A_496, %add3A_497 : f32
    %slice3A_499 = vector.extract_strided_slice %dot_general3A_440 {offsets = [0, 896], sizes = [128, 128], strides = [1, 1]} : vector<128x1280xf32> to vector<128x128xf32>
    %slice3A_500 = vector.extract_strided_slice %dot_general3A_442 {offsets = [0, 896], sizes = [128, 128], strides = [1, 1]} : vector<128x1280xf32> to vector<128x128xf32>
    %add3A_501 = arith.constant 0.000000e+00 : f32
    %add3A_502 = arith.addf %convert_element_type3A_11, %add3A_501 : f32
    %mul3A_503 = arith.constant 5.000000e+01 : f32
    %mul3A_504 = arith.mulf %add3A_502, %mul3A_503 : f32
    %add3A_505 = arith.constant 3.700000e+01 : f32
    %add3A_506 = arith.addf %mul3A_504, %add3A_505 : f32
    %slice3A_507 = vector.extract_strided_slice %dot_general3A_440 {offsets = [0, 1024], sizes = [128, 128], strides = [1, 1]} : vector<128x1280xf32> to vector<128x128xf32>
    %slice3A_508 = vector.extract_strided_slice %dot_general3A_442 {offsets = [0, 1024], sizes = [128, 128], strides = [1, 1]} : vector<128x1280xf32> to vector<128x128xf32>
    %add3A_509 = arith.constant 0.000000e+00 : f32
    %add3A_510 = arith.addf %convert_element_type3A_11, %add3A_509 : f32
    %mul3A_511 = arith.constant 5.000000e+01 : f32
    %mul3A_512 = arith.mulf %add3A_510, %mul3A_511 : f32
    %add3A_513 = arith.constant 3.800000e+01 : f32
    %add3A_514 = arith.addf %mul3A_512, %add3A_513 : f32
    %slice3A_515 = vector.extract_strided_slice %dot_general3A_440 {offsets = [0, 1152], sizes = [128, 128], strides = [1, 1]} : vector<128x1280xf32> to vector<128x128xf32>
    %slice3A_516 = vector.extract_strided_slice %dot_general3A_442 {offsets = [0, 1152], sizes = [128, 128], strides = [1, 1]} : vector<128x1280xf32> to vector<128x128xf32>
    %add3A_517 = arith.constant 0.000000e+00 : f32
    %add3A_518 = arith.addf %convert_element_type3A_11, %add3A_517 : f32
    %mul3A_519 = arith.constant 5.000000e+01 : f32
    %mul3A_520 = arith.mulf %add3A_518, %mul3A_519 : f32
    %add3A_521 = arith.constant 3.900000e+01 : f32
    %add3A_522 = arith.addf %mul3A_520, %add3A_521 : f32
    %ge3A_523 = arith.cmpf oge, %slice3A_443, %slice3A_451 : vector<128x128xf32>
    %select_n3A_524 = arith.select %ge3A_523, %slice3A_443, %slice3A_451 : vector<128x128xi1>, vector<128x128xf32>
    %select_n3A_525 = arith.select %ge3A_523, %slice3A_444, %slice3A_452 : vector<128x128xi1>, vector<128x128xf32>
    %broadcast_in_dim3A_526 = vector.broadcast %add3A_450 : f32 to vector<128x128xf32>
    %broadcast_in_dim3A_527 = vector.broadcast %add3A_458 : f32 to vector<128x128xf32>
    %select_n3A_528 = arith.select %ge3A_523, %broadcast_in_dim3A_526, %broadcast_in_dim3A_527 : vector<128x128xi1>, vector<128x128xf32>
    %ge3A_529 = arith.cmpf oge, %slice3A_459, %slice3A_467 : vector<128x128xf32>
    %select_n3A_530 = arith.select %ge3A_529, %slice3A_459, %slice3A_467 : vector<128x128xi1>, vector<128x128xf32>
    %select_n3A_531 = arith.select %ge3A_529, %slice3A_460, %slice3A_468 : vector<128x128xi1>, vector<128x128xf32>
    %broadcast_in_dim3A_532 = vector.broadcast %add3A_466 : f32 to vector<128x128xf32>
    %broadcast_in_dim3A_533 = vector.broadcast %add3A_474 : f32 to vector<128x128xf32>
    %select_n3A_534 = arith.select %ge3A_529, %broadcast_in_dim3A_532, %broadcast_in_dim3A_533 : vector<128x128xi1>, vector<128x128xf32>
    %ge3A_535 = arith.cmpf oge, %slice3A_475, %slice3A_483 : vector<128x128xf32>
    %select_n3A_536 = arith.select %ge3A_535, %slice3A_475, %slice3A_483 : vector<128x128xi1>, vector<128x128xf32>
    %select_n3A_537 = arith.select %ge3A_535, %slice3A_476, %slice3A_484 : vector<128x128xi1>, vector<128x128xf32>
    %broadcast_in_dim3A_538 = vector.broadcast %add3A_482 : f32 to vector<128x128xf32>
    %broadcast_in_dim3A_539 = vector.broadcast %add3A_490 : f32 to vector<128x128xf32>
    %select_n3A_540 = arith.select %ge3A_535, %broadcast_in_dim3A_538, %broadcast_in_dim3A_539 : vector<128x128xi1>, vector<128x128xf32>
    %ge3A_541 = arith.cmpf oge, %slice3A_491, %slice3A_499 : vector<128x128xf32>
    %select_n3A_542 = arith.select %ge3A_541, %slice3A_491, %slice3A_499 : vector<128x128xi1>, vector<128x128xf32>
    %select_n3A_543 = arith.select %ge3A_541, %slice3A_492, %slice3A_500 : vector<128x128xi1>, vector<128x128xf32>
    %broadcast_in_dim3A_544 = vector.broadcast %add3A_498 : f32 to vector<128x128xf32>
    %broadcast_in_dim3A_545 = vector.broadcast %add3A_506 : f32 to vector<128x128xf32>
    %select_n3A_546 = arith.select %ge3A_541, %broadcast_in_dim3A_544, %broadcast_in_dim3A_545 : vector<128x128xi1>, vector<128x128xf32>
    %ge3A_547 = arith.cmpf oge, %slice3A_507, %slice3A_515 : vector<128x128xf32>
    %select_n3A_548 = arith.select %ge3A_547, %slice3A_507, %slice3A_515 : vector<128x128xi1>, vector<128x128xf32>
    %select_n3A_549 = arith.select %ge3A_547, %slice3A_508, %slice3A_516 : vector<128x128xi1>, vector<128x128xf32>
    %broadcast_in_dim3A_550 = vector.broadcast %add3A_514 : f32 to vector<128x128xf32>
    %broadcast_in_dim3A_551 = vector.broadcast %add3A_522 : f32 to vector<128x128xf32>
    %select_n3A_552 = arith.select %ge3A_547, %broadcast_in_dim3A_550, %broadcast_in_dim3A_551 : vector<128x128xi1>, vector<128x128xf32>
    %ge3A_553 = arith.cmpf oge, %select_n3A_524, %select_n3A_530 : vector<128x128xf32>
    %select_n3A_554 = arith.select %ge3A_553, %select_n3A_524, %select_n3A_530 : vector<128x128xi1>, vector<128x128xf32>
    %select_n3A_555 = arith.select %ge3A_553, %select_n3A_525, %select_n3A_531 : vector<128x128xi1>, vector<128x128xf32>
    %select_n3A_556 = arith.select %ge3A_553, %select_n3A_528, %select_n3A_534 : vector<128x128xi1>, vector<128x128xf32>
    %ge3A_557 = arith.cmpf oge, %select_n3A_536, %select_n3A_542 : vector<128x128xf32>
    %select_n3A_558 = arith.select %ge3A_557, %select_n3A_536, %select_n3A_542 : vector<128x128xi1>, vector<128x128xf32>
    %select_n3A_559 = arith.select %ge3A_557, %select_n3A_537, %select_n3A_543 : vector<128x128xi1>, vector<128x128xf32>
    %select_n3A_560 = arith.select %ge3A_557, %select_n3A_540, %select_n3A_546 : vector<128x128xi1>, vector<128x128xf32>
    %ge3A_561 = arith.cmpf oge, %select_n3A_554, %select_n3A_558 : vector<128x128xf32>
    %select_n3A_562 = arith.select %ge3A_561, %select_n3A_554, %select_n3A_558 : vector<128x128xi1>, vector<128x128xf32>
    %select_n3A_563 = arith.select %ge3A_561, %select_n3A_555, %select_n3A_559 : vector<128x128xi1>, vector<128x128xf32>
    %select_n3A_564 = arith.select %ge3A_561, %select_n3A_556, %select_n3A_560 : vector<128x128xi1>, vector<128x128xf32>
    %ge3A_565 = arith.cmpf oge, %select_n3A_562, %select_n3A_548 : vector<128x128xf32>
    %select_n3A_566 = arith.select %ge3A_565, %select_n3A_562, %select_n3A_548 : vector<128x128xi1>, vector<128x128xf32>
    %select_n3A_567 = arith.select %ge3A_565, %select_n3A_563, %select_n3A_549 : vector<128x128xi1>, vector<128x128xf32>
    %select_n3A_568 = arith.select %ge3A_565, %select_n3A_564, %select_n3A_552 : vector<128x128xi1>, vector<128x128xf32>
    %gt3A_569 = arith.cmpf ogt, %select_n3A_566, %select_n3A_432 : vector<128x128xf32>
    %select_n3A_570 = arith.select %gt3A_569, %select_n3A_566, %select_n3A_432 : vector<128x128xi1>, vector<128x128xf32>
    %select_n3A_571 = arith.select %gt3A_569, %select_n3A_567, %select_n3A_433 : vector<128x128xi1>, vector<128x128xf32>
    %select_n3A_572 = arith.select %gt3A_569, %select_n3A_568, %select_n3A_434 : vector<128x128xi1>, vector<128x128xf32>
    %get3A_573 = arith.constant 5120 : index
    %get3A_574 = arith.constant 0 : index
    %get3A_575 = vector.load %arg21[%get3A_573, %get3A_574] : memref<6400x128xf32, #tpu.memory_space<vmem>>, vector<1280x128xf32>
    %convert_element_type3A_576 = arith.truncf %get3A_575 : vector<1280x128xf32> to vector<1280x128xbf16>
    %dot_general3A_577 = arith.constant dense<0.000000e+00> : vector<128x1280xf32>
    %dot_general3A_578 = tpu.matmul %convert_element_type3A_4, %convert_element_type3A_576, %dot_general3A_577 {dimension_numbers = #tpu.dot_dimension_numbers<[1], [1], [0], [0], [0, 0, 1, 0], [], []>, transpose_lhs_hint = false} : vector<128x128xbf16>, vector<1280x128xbf16>, vector<128x1280xf32> -> vector<128x1280xf32>
    %dot_general3A_579 = arith.constant dense<0.000000e+00> : vector<128x1280xf32>
    %dot_general3A_580 = tpu.matmul %convert_element_type3A_8, %convert_element_type3A_576, %dot_general3A_579 {dimension_numbers = #tpu.dot_dimension_numbers<[1], [1], [0], [0], [0, 0, 1, 0], [], []>, transpose_lhs_hint = false} : vector<128x128xbf16>, vector<1280x128xbf16>, vector<128x1280xf32> -> vector<128x1280xf32>
    %slice3A_581 = vector.extract_strided_slice %dot_general3A_578 {offsets = [0, 0], sizes = [128, 128], strides = [1, 1]} : vector<128x1280xf32> to vector<128x128xf32>
    %slice3A_582 = vector.extract_strided_slice %dot_general3A_580 {offsets = [0, 0], sizes = [128, 128], strides = [1, 1]} : vector<128x1280xf32> to vector<128x128xf32>
    %add3A_583 = arith.constant 0.000000e+00 : f32
    %add3A_584 = arith.addf %convert_element_type3A_11, %add3A_583 : f32
    %mul3A_585 = arith.constant 5.000000e+01 : f32
    %mul3A_586 = arith.mulf %add3A_584, %mul3A_585 : f32
    %add3A_587 = arith.constant 4.000000e+01 : f32
    %add3A_588 = arith.addf %mul3A_586, %add3A_587 : f32
    %slice3A_589 = vector.extract_strided_slice %dot_general3A_578 {offsets = [0, 128], sizes = [128, 128], strides = [1, 1]} : vector<128x1280xf32> to vector<128x128xf32>
    %slice3A_590 = vector.extract_strided_slice %dot_general3A_580 {offsets = [0, 128], sizes = [128, 128], strides = [1, 1]} : vector<128x1280xf32> to vector<128x128xf32>
    %add3A_591 = arith.constant 0.000000e+00 : f32
    %add3A_592 = arith.addf %convert_element_type3A_11, %add3A_591 : f32
    %mul3A_593 = arith.constant 5.000000e+01 : f32
    %mul3A_594 = arith.mulf %add3A_592, %mul3A_593 : f32
    %add3A_595 = arith.constant 4.100000e+01 : f32
    %add3A_596 = arith.addf %mul3A_594, %add3A_595 : f32
    %slice3A_597 = vector.extract_strided_slice %dot_general3A_578 {offsets = [0, 256], sizes = [128, 128], strides = [1, 1]} : vector<128x1280xf32> to vector<128x128xf32>
    %slice3A_598 = vector.extract_strided_slice %dot_general3A_580 {offsets = [0, 256], sizes = [128, 128], strides = [1, 1]} : vector<128x1280xf32> to vector<128x128xf32>
    %add3A_599 = arith.constant 0.000000e+00 : f32
    %add3A_600 = arith.addf %convert_element_type3A_11, %add3A_599 : f32
    %mul3A_601 = arith.constant 5.000000e+01 : f32
    %mul3A_602 = arith.mulf %add3A_600, %mul3A_601 : f32
    %add3A_603 = arith.constant 4.200000e+01 : f32
    %add3A_604 = arith.addf %mul3A_602, %add3A_603 : f32
    %slice3A_605 = vector.extract_strided_slice %dot_general3A_578 {offsets = [0, 384], sizes = [128, 128], strides = [1, 1]} : vector<128x1280xf32> to vector<128x128xf32>
    %slice3A_606 = vector.extract_strided_slice %dot_general3A_580 {offsets = [0, 384], sizes = [128, 128], strides = [1, 1]} : vector<128x1280xf32> to vector<128x128xf32>
    %add3A_607 = arith.constant 0.000000e+00 : f32
    %add3A_608 = arith.addf %convert_element_type3A_11, %add3A_607 : f32
    %mul3A_609 = arith.constant 5.000000e+01 : f32
    %mul3A_610 = arith.mulf %add3A_608, %mul3A_609 : f32
    %add3A_611 = arith.constant 4.300000e+01 : f32
    %add3A_612 = arith.addf %mul3A_610, %add3A_611 : f32
    %slice3A_613 = vector.extract_strided_slice %dot_general3A_578 {offsets = [0, 512], sizes = [128, 128], strides = [1, 1]} : vector<128x1280xf32> to vector<128x128xf32>
    %slice3A_614 = vector.extract_strided_slice %dot_general3A_580 {offsets = [0, 512], sizes = [128, 128], strides = [1, 1]} : vector<128x1280xf32> to vector<128x128xf32>
    %add3A_615 = arith.constant 0.000000e+00 : f32
    %add3A_616 = arith.addf %convert_element_type3A_11, %add3A_615 : f32
    %mul3A_617 = arith.constant 5.000000e+01 : f32
    %mul3A_618 = arith.mulf %add3A_616, %mul3A_617 : f32
    %add3A_619 = arith.constant 4.400000e+01 : f32
    %add3A_620 = arith.addf %mul3A_618, %add3A_619 : f32
    %slice3A_621 = vector.extract_strided_slice %dot_general3A_578 {offsets = [0, 640], sizes = [128, 128], strides = [1, 1]} : vector<128x1280xf32> to vector<128x128xf32>
    %slice3A_622 = vector.extract_strided_slice %dot_general3A_580 {offsets = [0, 640], sizes = [128, 128], strides = [1, 1]} : vector<128x1280xf32> to vector<128x128xf32>
    %add3A_623 = arith.constant 0.000000e+00 : f32
    %add3A_624 = arith.addf %convert_element_type3A_11, %add3A_623 : f32
    %mul3A_625 = arith.constant 5.000000e+01 : f32
    %mul3A_626 = arith.mulf %add3A_624, %mul3A_625 : f32
    %add3A_627 = arith.constant 4.500000e+01 : f32
    %add3A_628 = arith.addf %mul3A_626, %add3A_627 : f32
    %slice3A_629 = vector.extract_strided_slice %dot_general3A_578 {offsets = [0, 768], sizes = [128, 128], strides = [1, 1]} : vector<128x1280xf32> to vector<128x128xf32>
    %slice3A_630 = vector.extract_strided_slice %dot_general3A_580 {offsets = [0, 768], sizes = [128, 128], strides = [1, 1]} : vector<128x1280xf32> to vector<128x128xf32>
    %add3A_631 = arith.constant 0.000000e+00 : f32
    %add3A_632 = arith.addf %convert_element_type3A_11, %add3A_631 : f32
    %mul3A_633 = arith.constant 5.000000e+01 : f32
    %mul3A_634 = arith.mulf %add3A_632, %mul3A_633 : f32
    %add3A_635 = arith.constant 4.600000e+01 : f32
    %add3A_636 = arith.addf %mul3A_634, %add3A_635 : f32
    %slice3A_637 = vector.extract_strided_slice %dot_general3A_578 {offsets = [0, 896], sizes = [128, 128], strides = [1, 1]} : vector<128x1280xf32> to vector<128x128xf32>
    %slice3A_638 = vector.extract_strided_slice %dot_general3A_580 {offsets = [0, 896], sizes = [128, 128], strides = [1, 1]} : vector<128x1280xf32> to vector<128x128xf32>
    %add3A_639 = arith.constant 0.000000e+00 : f32
    %add3A_640 = arith.addf %convert_element_type3A_11, %add3A_639 : f32
    %mul3A_641 = arith.constant 5.000000e+01 : f32
    %mul3A_642 = arith.mulf %add3A_640, %mul3A_641 : f32
    %add3A_643 = arith.constant 4.700000e+01 : f32
    %add3A_644 = arith.addf %mul3A_642, %add3A_643 : f32
    %slice3A_645 = vector.extract_strided_slice %dot_general3A_578 {offsets = [0, 1024], sizes = [128, 128], strides = [1, 1]} : vector<128x1280xf32> to vector<128x128xf32>
    %slice3A_646 = vector.extract_strided_slice %dot_general3A_580 {offsets = [0, 1024], sizes = [128, 128], strides = [1, 1]} : vector<128x1280xf32> to vector<128x128xf32>
    %add3A_647 = arith.constant 0.000000e+00 : f32
    %add3A_648 = arith.addf %convert_element_type3A_11, %add3A_647 : f32
    %mul3A_649 = arith.constant 5.000000e+01 : f32
    %mul3A_650 = arith.mulf %add3A_648, %mul3A_649 : f32
    %add3A_651 = arith.constant 4.800000e+01 : f32
    %add3A_652 = arith.addf %mul3A_650, %add3A_651 : f32
    %slice3A_653 = vector.extract_strided_slice %dot_general3A_578 {offsets = [0, 1152], sizes = [128, 128], strides = [1, 1]} : vector<128x1280xf32> to vector<128x128xf32>
    %slice3A_654 = vector.extract_strided_slice %dot_general3A_580 {offsets = [0, 1152], sizes = [128, 128], strides = [1, 1]} : vector<128x1280xf32> to vector<128x128xf32>
    %add3A_655 = arith.constant 0.000000e+00 : f32
    %add3A_656 = arith.addf %convert_element_type3A_11, %add3A_655 : f32
    %mul3A_657 = arith.constant 5.000000e+01 : f32
    %mul3A_658 = arith.mulf %add3A_656, %mul3A_657 : f32
    %add3A_659 = arith.constant 4.900000e+01 : f32
    %add3A_660 = arith.addf %mul3A_658, %add3A_659 : f32
    %ge3A_661 = arith.cmpf oge, %slice3A_581, %slice3A_589 : vector<128x128xf32>
    %select_n3A_662 = arith.select %ge3A_661, %slice3A_581, %slice3A_589 : vector<128x128xi1>, vector<128x128xf32>
    %select_n3A_663 = arith.select %ge3A_661, %slice3A_582, %slice3A_590 : vector<128x128xi1>, vector<128x128xf32>
    %broadcast_in_dim3A_664 = vector.broadcast %add3A_588 : f32 to vector<128x128xf32>
    %broadcast_in_dim3A_665 = vector.broadcast %add3A_596 : f32 to vector<128x128xf32>
    %select_n3A_666 = arith.select %ge3A_661, %broadcast_in_dim3A_664, %broadcast_in_dim3A_665 : vector<128x128xi1>, vector<128x128xf32>
    %ge3A_667 = arith.cmpf oge, %slice3A_597, %slice3A_605 : vector<128x128xf32>
    %select_n3A_668 = arith.select %ge3A_667, %slice3A_597, %slice3A_605 : vector<128x128xi1>, vector<128x128xf32>
    %select_n3A_669 = arith.select %ge3A_667, %slice3A_598, %slice3A_606 : vector<128x128xi1>, vector<128x128xf32>
    %broadcast_in_dim3A_670 = vector.broadcast %add3A_604 : f32 to vector<128x128xf32>
    %broadcast_in_dim3A_671 = vector.broadcast %add3A_612 : f32 to vector<128x128xf32>
    %select_n3A_672 = arith.select %ge3A_667, %broadcast_in_dim3A_670, %broadcast_in_dim3A_671 : vector<128x128xi1>, vector<128x128xf32>
    %ge3A_673 = arith.cmpf oge, %slice3A_613, %slice3A_621 : vector<128x128xf32>
    %select_n3A_674 = arith.select %ge3A_673, %slice3A_613, %slice3A_621 : vector<128x128xi1>, vector<128x128xf32>
    %select_n3A_675 = arith.select %ge3A_673, %slice3A_614, %slice3A_622 : vector<128x128xi1>, vector<128x128xf32>
    %broadcast_in_dim3A_676 = vector.broadcast %add3A_620 : f32 to vector<128x128xf32>
    %broadcast_in_dim3A_677 = vector.broadcast %add3A_628 : f32 to vector<128x128xf32>
    %select_n3A_678 = arith.select %ge3A_673, %broadcast_in_dim3A_676, %broadcast_in_dim3A_677 : vector<128x128xi1>, vector<128x128xf32>
    %ge3A_679 = arith.cmpf oge, %slice3A_629, %slice3A_637 : vector<128x128xf32>
    %select_n3A_680 = arith.select %ge3A_679, %slice3A_629, %slice3A_637 : vector<128x128xi1>, vector<128x128xf32>
    %select_n3A_681 = arith.select %ge3A_679, %slice3A_630, %slice3A_638 : vector<128x128xi1>, vector<128x128xf32>
    %broadcast_in_dim3A_682 = vector.broadcast %add3A_636 : f32 to vector<128x128xf32>
    %broadcast_in_dim3A_683 = vector.broadcast %add3A_644 : f32 to vector<128x128xf32>
    %select_n3A_684 = arith.select %ge3A_679, %broadcast_in_dim3A_682, %broadcast_in_dim3A_683 : vector<128x128xi1>, vector<128x128xf32>
    %ge3A_685 = arith.cmpf oge, %slice3A_645, %slice3A_653 : vector<128x128xf32>
    %select_n3A_686 = arith.select %ge3A_685, %slice3A_645, %slice3A_653 : vector<128x128xi1>, vector<128x128xf32>
    %select_n3A_687 = arith.select %ge3A_685, %slice3A_646, %slice3A_654 : vector<128x128xi1>, vector<128x128xf32>
    %broadcast_in_dim3A_688 = vector.broadcast %add3A_652 : f32 to vector<128x128xf32>
    %broadcast_in_dim3A_689 = vector.broadcast %add3A_660 : f32 to vector<128x128xf32>
    %select_n3A_690 = arith.select %ge3A_685, %broadcast_in_dim3A_688, %broadcast_in_dim3A_689 : vector<128x128xi1>, vector<128x128xf32>
    %ge3A_691 = arith.cmpf oge, %select_n3A_662, %select_n3A_668 : vector<128x128xf32>
    %select_n3A_692 = arith.select %ge3A_691, %select_n3A_662, %select_n3A_668 : vector<128x128xi1>, vector<128x128xf32>
    %select_n3A_693 = arith.select %ge3A_691, %select_n3A_663, %select_n3A_669 : vector<128x128xi1>, vector<128x128xf32>
    %select_n3A_694 = arith.select %ge3A_691, %select_n3A_666, %select_n3A_672 : vector<128x128xi1>, vector<128x128xf32>
    %ge3A_695 = arith.cmpf oge, %select_n3A_674, %select_n3A_680 : vector<128x128xf32>
    %select_n3A_696 = arith.select %ge3A_695, %select_n3A_674, %select_n3A_680 : vector<128x128xi1>, vector<128x128xf32>
    %select_n3A_697 = arith.select %ge3A_695, %select_n3A_675, %select_n3A_681 : vector<128x128xi1>, vector<128x128xf32>
    %select_n3A_698 = arith.select %ge3A_695, %select_n3A_678, %select_n3A_684 : vector<128x128xi1>, vector<128x128xf32>
    %ge3A_699 = arith.cmpf oge, %select_n3A_692, %select_n3A_696 : vector<128x128xf32>
    %select_n3A_700 = arith.select %ge3A_699, %select_n3A_692, %select_n3A_696 : vector<128x128xi1>, vector<128x128xf32>
    %select_n3A_701 = arith.select %ge3A_699, %select_n3A_693, %select_n3A_697 : vector<128x128xi1>, vector<128x128xf32>
    %select_n3A_702 = arith.select %ge3A_699, %select_n3A_694, %select_n3A_698 : vector<128x128xi1>, vector<128x128xf32>
    %ge3A_703 = arith.cmpf oge, %select_n3A_700, %select_n3A_686 : vector<128x128xf32>
    %select_n3A_704 = arith.select %ge3A_703, %select_n3A_700, %select_n3A_686 : vector<128x128xi1>, vector<128x128xf32>
    %select_n3A_705 = arith.select %ge3A_703, %select_n3A_701, %select_n3A_687 : vector<128x128xi1>, vector<128x128xf32>
    %select_n3A_706 = arith.select %ge3A_703, %select_n3A_702, %select_n3A_690 : vector<128x128xi1>, vector<128x128xf32>
    %gt3A_707 = arith.cmpf ogt, %select_n3A_704, %select_n3A_570 : vector<128x128xf32>
    %select_n3A_708 = arith.select %gt3A_707, %select_n3A_704, %select_n3A_570 : vector<128x128xi1>, vector<128x128xf32>
    %select_n3A_709 = arith.select %gt3A_707, %select_n3A_705, %select_n3A_571 : vector<128x128xi1>, vector<128x128xf32>
    %select_n3A_710 = arith.select %gt3A_707, %select_n3A_706, %select_n3A_572 : vector<128x128xi1>, vector<128x128xf32>
    %get3A_711 = arith.constant 0 : index
    %get3A_712 = arith.constant 0 : index
    %get3A_713 = vector.load %arg22[%get3A_711, %get3A_712] : memref<6400x128xf32, #tpu.memory_space<vmem>>, vector<1280x128xf32>
    %convert_element_type3A_714 = arith.truncf %get3A_713 : vector<1280x128xf32> to vector<1280x128xbf16>
    %dot_general3A_715 = arith.constant dense<0.000000e+00> : vector<128x1280xf32>
    %dot_general3A_716 = tpu.matmul %convert_element_type3A_4, %convert_element_type3A_714, %dot_general3A_715 {dimension_numbers = #tpu.dot_dimension_numbers<[1], [1], [0], [0], [0, 0, 1, 0], [], []>, transpose_lhs_hint = false} : vector<128x128xbf16>, vector<1280x128xbf16>, vector<128x1280xf32> -> vector<128x1280xf32>
    %dot_general3A_717 = arith.constant dense<0.000000e+00> : vector<128x1280xf32>
    %dot_general3A_718 = tpu.matmul %convert_element_type3A_8, %convert_element_type3A_714, %dot_general3A_717 {dimension_numbers = #tpu.dot_dimension_numbers<[1], [1], [0], [0], [0, 0, 1, 0], [], []>, transpose_lhs_hint = false} : vector<128x128xbf16>, vector<1280x128xbf16>, vector<128x1280xf32> -> vector<128x1280xf32>
    %slice3A_719 = vector.extract_strided_slice %dot_general3A_716 {offsets = [0, 0], sizes = [128, 128], strides = [1, 1]} : vector<128x1280xf32> to vector<128x128xf32>
    %slice3A_720 = vector.extract_strided_slice %dot_general3A_718 {offsets = [0, 0], sizes = [128, 128], strides = [1, 1]} : vector<128x1280xf32> to vector<128x128xf32>
    %add3A_721 = arith.constant 1.000000e+01 : f32
    %add3A_722 = arith.addf %convert_element_type3A_11, %add3A_721 : f32
    %mul3A_723 = arith.constant 5.000000e+01 : f32
    %mul3A_724 = arith.mulf %add3A_722, %mul3A_723 : f32
    %add3A_725 = arith.constant 0.000000e+00 : f32
    %add3A_726 = arith.addf %mul3A_724, %add3A_725 : f32
    %slice3A_727 = vector.extract_strided_slice %dot_general3A_716 {offsets = [0, 128], sizes = [128, 128], strides = [1, 1]} : vector<128x1280xf32> to vector<128x128xf32>
    %slice3A_728 = vector.extract_strided_slice %dot_general3A_718 {offsets = [0, 128], sizes = [128, 128], strides = [1, 1]} : vector<128x1280xf32> to vector<128x128xf32>
    %add3A_729 = arith.constant 1.000000e+01 : f32
    %add3A_730 = arith.addf %convert_element_type3A_11, %add3A_729 : f32
    %mul3A_731 = arith.constant 5.000000e+01 : f32
    %mul3A_732 = arith.mulf %add3A_730, %mul3A_731 : f32
    %add3A_733 = arith.constant 1.000000e+00 : f32
    %add3A_734 = arith.addf %mul3A_732, %add3A_733 : f32
    %slice3A_735 = vector.extract_strided_slice %dot_general3A_716 {offsets = [0, 256], sizes = [128, 128], strides = [1, 1]} : vector<128x1280xf32> to vector<128x128xf32>
    %slice3A_736 = vector.extract_strided_slice %dot_general3A_718 {offsets = [0, 256], sizes = [128, 128], strides = [1, 1]} : vector<128x1280xf32> to vector<128x128xf32>
    %add3A_737 = arith.constant 1.000000e+01 : f32
    %add3A_738 = arith.addf %convert_element_type3A_11, %add3A_737 : f32
    %mul3A_739 = arith.constant 5.000000e+01 : f32
    %mul3A_740 = arith.mulf %add3A_738, %mul3A_739 : f32
    %add3A_741 = arith.constant 2.000000e+00 : f32
    %add3A_742 = arith.addf %mul3A_740, %add3A_741 : f32
    %slice3A_743 = vector.extract_strided_slice %dot_general3A_716 {offsets = [0, 384], sizes = [128, 128], strides = [1, 1]} : vector<128x1280xf32> to vector<128x128xf32>
    %slice3A_744 = vector.extract_strided_slice %dot_general3A_718 {offsets = [0, 384], sizes = [128, 128], strides = [1, 1]} : vector<128x1280xf32> to vector<128x128xf32>
    %add3A_745 = arith.constant 1.000000e+01 : f32
    %add3A_746 = arith.addf %convert_element_type3A_11, %add3A_745 : f32
    %mul3A_747 = arith.constant 5.000000e+01 : f32
    %mul3A_748 = arith.mulf %add3A_746, %mul3A_747 : f32
    %add3A_749 = arith.constant 3.000000e+00 : f32
    %add3A_750 = arith.addf %mul3A_748, %add3A_749 : f32
    %slice3A_751 = vector.extract_strided_slice %dot_general3A_716 {offsets = [0, 512], sizes = [128, 128], strides = [1, 1]} : vector<128x1280xf32> to vector<128x128xf32>
    %slice3A_752 = vector.extract_strided_slice %dot_general3A_718 {offsets = [0, 512], sizes = [128, 128], strides = [1, 1]} : vector<128x1280xf32> to vector<128x128xf32>
    %add3A_753 = arith.constant 1.000000e+01 : f32
    %add3A_754 = arith.addf %convert_element_type3A_11, %add3A_753 : f32
    %mul3A_755 = arith.constant 5.000000e+01 : f32
    %mul3A_756 = arith.mulf %add3A_754, %mul3A_755 : f32
    %add3A_757 = arith.constant 4.000000e+00 : f32
    %add3A_758 = arith.addf %mul3A_756, %add3A_757 : f32
    %slice3A_759 = vector.extract_strided_slice %dot_general3A_716 {offsets = [0, 640], sizes = [128, 128], strides = [1, 1]} : vector<128x1280xf32> to vector<128x128xf32>
    %slice3A_760 = vector.extract_strided_slice %dot_general3A_718 {offsets = [0, 640], sizes = [128, 128], strides = [1, 1]} : vector<128x1280xf32> to vector<128x128xf32>
    %add3A_761 = arith.constant 1.000000e+01 : f32
    %add3A_762 = arith.addf %convert_element_type3A_11, %add3A_761 : f32
    %mul3A_763 = arith.constant 5.000000e+01 : f32
    %mul3A_764 = arith.mulf %add3A_762, %mul3A_763 : f32
    %add3A_765 = arith.constant 5.000000e+00 : f32
    %add3A_766 = arith.addf %mul3A_764, %add3A_765 : f32
    %slice3A_767 = vector.extract_strided_slice %dot_general3A_716 {offsets = [0, 768], sizes = [128, 128], strides = [1, 1]} : vector<128x1280xf32> to vector<128x128xf32>
    %slice3A_768 = vector.extract_strided_slice %dot_general3A_718 {offsets = [0, 768], sizes = [128, 128], strides = [1, 1]} : vector<128x1280xf32> to vector<128x128xf32>
    %add3A_769 = arith.constant 1.000000e+01 : f32
    %add3A_770 = arith.addf %convert_element_type3A_11, %add3A_769 : f32
    %mul3A_771 = arith.constant 5.000000e+01 : f32
    %mul3A_772 = arith.mulf %add3A_770, %mul3A_771 : f32
    %add3A_773 = arith.constant 6.000000e+00 : f32
    %add3A_774 = arith.addf %mul3A_772, %add3A_773 : f32
    %slice3A_775 = vector.extract_strided_slice %dot_general3A_716 {offsets = [0, 896], sizes = [128, 128], strides = [1, 1]} : vector<128x1280xf32> to vector<128x128xf32>
    %slice3A_776 = vector.extract_strided_slice %dot_general3A_718 {offsets = [0, 896], sizes = [128, 128], strides = [1, 1]} : vector<128x1280xf32> to vector<128x128xf32>
    %add3A_777 = arith.constant 1.000000e+01 : f32
    %add3A_778 = arith.addf %convert_element_type3A_11, %add3A_777 : f32
    %mul3A_779 = arith.constant 5.000000e+01 : f32
    %mul3A_780 = arith.mulf %add3A_778, %mul3A_779 : f32
    %add3A_781 = arith.constant 7.000000e+00 : f32
    %add3A_782 = arith.addf %mul3A_780, %add3A_781 : f32
    %slice3A_783 = vector.extract_strided_slice %dot_general3A_716 {offsets = [0, 1024], sizes = [128, 128], strides = [1, 1]} : vector<128x1280xf32> to vector<128x128xf32>
    %slice3A_784 = vector.extract_strided_slice %dot_general3A_718 {offsets = [0, 1024], sizes = [128, 128], strides = [1, 1]} : vector<128x1280xf32> to vector<128x128xf32>
    %add3A_785 = arith.constant 1.000000e+01 : f32
    %add3A_786 = arith.addf %convert_element_type3A_11, %add3A_785 : f32
    %mul3A_787 = arith.constant 5.000000e+01 : f32
    %mul3A_788 = arith.mulf %add3A_786, %mul3A_787 : f32
    %add3A_789 = arith.constant 8.000000e+00 : f32
    %add3A_790 = arith.addf %mul3A_788, %add3A_789 : f32
    %slice3A_791 = vector.extract_strided_slice %dot_general3A_716 {offsets = [0, 1152], sizes = [128, 128], strides = [1, 1]} : vector<128x1280xf32> to vector<128x128xf32>
    %slice3A_792 = vector.extract_strided_slice %dot_general3A_718 {offsets = [0, 1152], sizes = [128, 128], strides = [1, 1]} : vector<128x1280xf32> to vector<128x128xf32>
    %add3A_793 = arith.constant 1.000000e+01 : f32
    %add3A_794 = arith.addf %convert_element_type3A_11, %add3A_793 : f32
    %mul3A_795 = arith.constant 5.000000e+01 : f32
    %mul3A_796 = arith.mulf %add3A_794, %mul3A_795 : f32
    %add3A_797 = arith.constant 9.000000e+00 : f32
    %add3A_798 = arith.addf %mul3A_796, %add3A_797 : f32
    %ge3A_799 = arith.cmpf oge, %slice3A_719, %slice3A_727 : vector<128x128xf32>
    %select_n3A_800 = arith.select %ge3A_799, %slice3A_719, %slice3A_727 : vector<128x128xi1>, vector<128x128xf32>
    %select_n3A_801 = arith.select %ge3A_799, %slice3A_720, %slice3A_728 : vector<128x128xi1>, vector<128x128xf32>
    %broadcast_in_dim3A_802 = vector.broadcast %add3A_726 : f32 to vector<128x128xf32>
    %broadcast_in_dim3A_803 = vector.broadcast %add3A_734 : f32 to vector<128x128xf32>
    %select_n3A_804 = arith.select %ge3A_799, %broadcast_in_dim3A_802, %broadcast_in_dim3A_803 : vector<128x128xi1>, vector<128x128xf32>
    %ge3A_805 = arith.cmpf oge, %slice3A_735, %slice3A_743 : vector<128x128xf32>
    %select_n3A_806 = arith.select %ge3A_805, %slice3A_735, %slice3A_743 : vector<128x128xi1>, vector<128x128xf32>
    %select_n3A_807 = arith.select %ge3A_805, %slice3A_736, %slice3A_744 : vector<128x128xi1>, vector<128x128xf32>
    %broadcast_in_dim3A_808 = vector.broadcast %add3A_742 : f32 to vector<128x128xf32>
    %broadcast_in_dim3A_809 = vector.broadcast %add3A_750 : f32 to vector<128x128xf32>
    %select_n3A_810 = arith.select %ge3A_805, %broadcast_in_dim3A_808, %broadcast_in_dim3A_809 : vector<128x128xi1>, vector<128x128xf32>
    %ge3A_811 = arith.cmpf oge, %slice3A_751, %slice3A_759 : vector<128x128xf32>
    %select_n3A_812 = arith.select %ge3A_811, %slice3A_751, %slice3A_759 : vector<128x128xi1>, vector<128x128xf32>
    %select_n3A_813 = arith.select %ge3A_811, %slice3A_752, %slice3A_760 : vector<128x128xi1>, vector<128x128xf32>
    %broadcast_in_dim3A_814 = vector.broadcast %add3A_758 : f32 to vector<128x128xf32>
    %broadcast_in_dim3A_815 = vector.broadcast %add3A_766 : f32 to vector<128x128xf32>
    %select_n3A_816 = arith.select %ge3A_811, %broadcast_in_dim3A_814, %broadcast_in_dim3A_815 : vector<128x128xi1>, vector<128x128xf32>
    %ge3A_817 = arith.cmpf oge, %slice3A_767, %slice3A_775 : vector<128x128xf32>
    %select_n3A_818 = arith.select %ge3A_817, %slice3A_767, %slice3A_775 : vector<128x128xi1>, vector<128x128xf32>
    %select_n3A_819 = arith.select %ge3A_817, %slice3A_768, %slice3A_776 : vector<128x128xi1>, vector<128x128xf32>
    %broadcast_in_dim3A_820 = vector.broadcast %add3A_774 : f32 to vector<128x128xf32>
    %broadcast_in_dim3A_821 = vector.broadcast %add3A_782 : f32 to vector<128x128xf32>
    %select_n3A_822 = arith.select %ge3A_817, %broadcast_in_dim3A_820, %broadcast_in_dim3A_821 : vector<128x128xi1>, vector<128x128xf32>
    %ge3A_823 = arith.cmpf oge, %slice3A_783, %slice3A_791 : vector<128x128xf32>
    %select_n3A_824 = arith.select %ge3A_823, %slice3A_783, %slice3A_791 : vector<128x128xi1>, vector<128x128xf32>
    %select_n3A_825 = arith.select %ge3A_823, %slice3A_784, %slice3A_792 : vector<128x128xi1>, vector<128x128xf32>
    %broadcast_in_dim3A_826 = vector.broadcast %add3A_790 : f32 to vector<128x128xf32>
    %broadcast_in_dim3A_827 = vector.broadcast %add3A_798 : f32 to vector<128x128xf32>
    %select_n3A_828 = arith.select %ge3A_823, %broadcast_in_dim3A_826, %broadcast_in_dim3A_827 : vector<128x128xi1>, vector<128x128xf32>
    %ge3A_829 = arith.cmpf oge, %select_n3A_800, %select_n3A_806 : vector<128x128xf32>
    %select_n3A_830 = arith.select %ge3A_829, %select_n3A_800, %select_n3A_806 : vector<128x128xi1>, vector<128x128xf32>
    %select_n3A_831 = arith.select %ge3A_829, %select_n3A_801, %select_n3A_807 : vector<128x128xi1>, vector<128x128xf32>
    %select_n3A_832 = arith.select %ge3A_829, %select_n3A_804, %select_n3A_810 : vector<128x128xi1>, vector<128x128xf32>
    %ge3A_833 = arith.cmpf oge, %select_n3A_812, %select_n3A_818 : vector<128x128xf32>
    %select_n3A_834 = arith.select %ge3A_833, %select_n3A_812, %select_n3A_818 : vector<128x128xi1>, vector<128x128xf32>
    %select_n3A_835 = arith.select %ge3A_833, %select_n3A_813, %select_n3A_819 : vector<128x128xi1>, vector<128x128xf32>
    %select_n3A_836 = arith.select %ge3A_833, %select_n3A_816, %select_n3A_822 : vector<128x128xi1>, vector<128x128xf32>
    %ge3A_837 = arith.cmpf oge, %select_n3A_830, %select_n3A_834 : vector<128x128xf32>
    %select_n3A_838 = arith.select %ge3A_837, %select_n3A_830, %select_n3A_834 : vector<128x128xi1>, vector<128x128xf32>
    %select_n3A_839 = arith.select %ge3A_837, %select_n3A_831, %select_n3A_835 : vector<128x128xi1>, vector<128x128xf32>
    %select_n3A_840 = arith.select %ge3A_837, %select_n3A_832, %select_n3A_836 : vector<128x128xi1>, vector<128x128xf32>
    %ge3A_841 = arith.cmpf oge, %select_n3A_838, %select_n3A_824 : vector<128x128xf32>
    %select_n3A_842 = arith.select %ge3A_841, %select_n3A_838, %select_n3A_824 : vector<128x128xi1>, vector<128x128xf32>
    %select_n3A_843 = arith.select %ge3A_841, %select_n3A_839, %select_n3A_825 : vector<128x128xi1>, vector<128x128xf32>
    %select_n3A_844 = arith.select %ge3A_841, %select_n3A_840, %select_n3A_828 : vector<128x128xi1>, vector<128x128xf32>
    %gt3A_845 = arith.cmpf ogt, %select_n3A_842, %select_n3A_708 : vector<128x128xf32>
    %select_n3A_846 = arith.select %gt3A_845, %select_n3A_842, %select_n3A_708 : vector<128x128xi1>, vector<128x128xf32>
    %select_n3A_847 = arith.select %gt3A_845, %select_n3A_843, %select_n3A_709 : vector<128x128xi1>, vector<128x128xf32>
    %select_n3A_848 = arith.select %gt3A_845, %select_n3A_844, %select_n3A_710 : vector<128x128xi1>, vector<128x128xf32>
    %get3A_849 = arith.constant 1280 : index
    %get3A_850 = arith.constant 0 : index
    %get3A_851 = vector.load %arg22[%get3A_849, %get3A_850] : memref<6400x128xf32, #tpu.memory_space<vmem>>, vector<1280x128xf32>
    %convert_element_type3A_852 = arith.truncf %get3A_851 : vector<1280x128xf32> to vector<1280x128xbf16>
    %dot_general3A_853 = arith.constant dense<0.000000e+00> : vector<128x1280xf32>
    %dot_general3A_854 = tpu.matmul %convert_element_type3A_4, %convert_element_type3A_852, %dot_general3A_853 {dimension_numbers = #tpu.dot_dimension_numbers<[1], [1], [0], [0], [0, 0, 1, 0], [], []>, transpose_lhs_hint = false} : vector<128x128xbf16>, vector<1280x128xbf16>, vector<128x1280xf32> -> vector<128x1280xf32>
    %dot_general3A_855 = arith.constant dense<0.000000e+00> : vector<128x1280xf32>
    %dot_general3A_856 = tpu.matmul %convert_element_type3A_8, %convert_element_type3A_852, %dot_general3A_855 {dimension_numbers = #tpu.dot_dimension_numbers<[1], [1], [0], [0], [0, 0, 1, 0], [], []>, transpose_lhs_hint = false} : vector<128x128xbf16>, vector<1280x128xbf16>, vector<128x1280xf32> -> vector<128x1280xf32>
    %slice3A_857 = vector.extract_strided_slice %dot_general3A_854 {offsets = [0, 0], sizes = [128, 128], strides = [1, 1]} : vector<128x1280xf32> to vector<128x128xf32>
    %slice3A_858 = vector.extract_strided_slice %dot_general3A_856 {offsets = [0, 0], sizes = [128, 128], strides = [1, 1]} : vector<128x1280xf32> to vector<128x128xf32>
    %add3A_859 = arith.constant 1.000000e+01 : f32
    %add3A_860 = arith.addf %convert_element_type3A_11, %add3A_859 : f32
    %mul3A_861 = arith.constant 5.000000e+01 : f32
    %mul3A_862 = arith.mulf %add3A_860, %mul3A_861 : f32
    %add3A_863 = arith.constant 1.000000e+01 : f32
    %add3A_864 = arith.addf %mul3A_862, %add3A_863 : f32
    %slice3A_865 = vector.extract_strided_slice %dot_general3A_854 {offsets = [0, 128], sizes = [128, 128], strides = [1, 1]} : vector<128x1280xf32> to vector<128x128xf32>
    %slice3A_866 = vector.extract_strided_slice %dot_general3A_856 {offsets = [0, 128], sizes = [128, 128], strides = [1, 1]} : vector<128x1280xf32> to vector<128x128xf32>
    %add3A_867 = arith.constant 1.000000e+01 : f32
    %add3A_868 = arith.addf %convert_element_type3A_11, %add3A_867 : f32
    %mul3A_869 = arith.constant 5.000000e+01 : f32
    %mul3A_870 = arith.mulf %add3A_868, %mul3A_869 : f32
    %add3A_871 = arith.constant 1.100000e+01 : f32
    %add3A_872 = arith.addf %mul3A_870, %add3A_871 : f32
    %slice3A_873 = vector.extract_strided_slice %dot_general3A_854 {offsets = [0, 256], sizes = [128, 128], strides = [1, 1]} : vector<128x1280xf32> to vector<128x128xf32>
    %slice3A_874 = vector.extract_strided_slice %dot_general3A_856 {offsets = [0, 256], sizes = [128, 128], strides = [1, 1]} : vector<128x1280xf32> to vector<128x128xf32>
    %add3A_875 = arith.constant 1.000000e+01 : f32
    %add3A_876 = arith.addf %convert_element_type3A_11, %add3A_875 : f32
    %mul3A_877 = arith.constant 5.000000e+01 : f32
    %mul3A_878 = arith.mulf %add3A_876, %mul3A_877 : f32
    %add3A_879 = arith.constant 1.200000e+01 : f32
    %add3A_880 = arith.addf %mul3A_878, %add3A_879 : f32
    %slice3A_881 = vector.extract_strided_slice %dot_general3A_854 {offsets = [0, 384], sizes = [128, 128], strides = [1, 1]} : vector<128x1280xf32> to vector<128x128xf32>
    %slice3A_882 = vector.extract_strided_slice %dot_general3A_856 {offsets = [0, 384], sizes = [128, 128], strides = [1, 1]} : vector<128x1280xf32> to vector<128x128xf32>
    %add3A_883 = arith.constant 1.000000e+01 : f32
    %add3A_884 = arith.addf %convert_element_type3A_11, %add3A_883 : f32
    %mul3A_885 = arith.constant 5.000000e+01 : f32
    %mul3A_886 = arith.mulf %add3A_884, %mul3A_885 : f32
    %add3A_887 = arith.constant 1.300000e+01 : f32
    %add3A_888 = arith.addf %mul3A_886, %add3A_887 : f32
    %slice3A_889 = vector.extract_strided_slice %dot_general3A_854 {offsets = [0, 512], sizes = [128, 128], strides = [1, 1]} : vector<128x1280xf32> to vector<128x128xf32>
    %slice3A_890 = vector.extract_strided_slice %dot_general3A_856 {offsets = [0, 512], sizes = [128, 128], strides = [1, 1]} : vector<128x1280xf32> to vector<128x128xf32>
    %add3A_891 = arith.constant 1.000000e+01 : f32
    %add3A_892 = arith.addf %convert_element_type3A_11, %add3A_891 : f32
    %mul3A_893 = arith.constant 5.000000e+01 : f32
    %mul3A_894 = arith.mulf %add3A_892, %mul3A_893 : f32
    %add3A_895 = arith.constant 1.400000e+01 : f32
    %add3A_896 = arith.addf %mul3A_894, %add3A_895 : f32
    %slice3A_897 = vector.extract_strided_slice %dot_general3A_854 {offsets = [0, 640], sizes = [128, 128], strides = [1, 1]} : vector<128x1280xf32> to vector<128x128xf32>
    %slice3A_898 = vector.extract_strided_slice %dot_general3A_856 {offsets = [0, 640], sizes = [128, 128], strides = [1, 1]} : vector<128x1280xf32> to vector<128x128xf32>
    %add3A_899 = arith.constant 1.000000e+01 : f32
    %add3A_900 = arith.addf %convert_element_type3A_11, %add3A_899 : f32
    %mul3A_901 = arith.constant 5.000000e+01 : f32
    %mul3A_902 = arith.mulf %add3A_900, %mul3A_901 : f32
    %add3A_903 = arith.constant 1.500000e+01 : f32
    %add3A_904 = arith.addf %mul3A_902, %add3A_903 : f32
    %slice3A_905 = vector.extract_strided_slice %dot_general3A_854 {offsets = [0, 768], sizes = [128, 128], strides = [1, 1]} : vector<128x1280xf32> to vector<128x128xf32>
    %slice3A_906 = vector.extract_strided_slice %dot_general3A_856 {offsets = [0, 768], sizes = [128, 128], strides = [1, 1]} : vector<128x1280xf32> to vector<128x128xf32>
    %add3A_907 = arith.constant 1.000000e+01 : f32
    %add3A_908 = arith.addf %convert_element_type3A_11, %add3A_907 : f32
    %mul3A_909 = arith.constant 5.000000e+01 : f32
    %mul3A_910 = arith.mulf %add3A_908, %mul3A_909 : f32
    %add3A_911 = arith.constant 1.600000e+01 : f32
    %add3A_912 = arith.addf %mul3A_910, %add3A_911 : f32
    %slice3A_913 = vector.extract_strided_slice %dot_general3A_854 {offsets = [0, 896], sizes = [128, 128], strides = [1, 1]} : vector<128x1280xf32> to vector<128x128xf32>
    %slice3A_914 = vector.extract_strided_slice %dot_general3A_856 {offsets = [0, 896], sizes = [128, 128], strides = [1, 1]} : vector<128x1280xf32> to vector<128x128xf32>
    %add3A_915 = arith.constant 1.000000e+01 : f32
    %add3A_916 = arith.addf %convert_element_type3A_11, %add3A_915 : f32
    %mul3A_917 = arith.constant 5.000000e+01 : f32
    %mul3A_918 = arith.mulf %add3A_916, %mul3A_917 : f32
    %add3A_919 = arith.constant 1.700000e+01 : f32
    %add3A_920 = arith.addf %mul3A_918, %add3A_919 : f32
    %slice3A_921 = vector.extract_strided_slice %dot_general3A_854 {offsets = [0, 1024], sizes = [128, 128], strides = [1, 1]} : vector<128x1280xf32> to vector<128x128xf32>
    %slice3A_922 = vector.extract_strided_slice %dot_general3A_856 {offsets = [0, 1024], sizes = [128, 128], strides = [1, 1]} : vector<128x1280xf32> to vector<128x128xf32>
    %add3A_923 = arith.constant 1.000000e+01 : f32
    %add3A_924 = arith.addf %convert_element_type3A_11, %add3A_923 : f32
    %mul3A_925 = arith.constant 5.000000e+01 : f32
    %mul3A_926 = arith.mulf %add3A_924, %mul3A_925 : f32
    %add3A_927 = arith.constant 1.800000e+01 : f32
    %add3A_928 = arith.addf %mul3A_926, %add3A_927 : f32
    %slice3A_929 = vector.extract_strided_slice %dot_general3A_854 {offsets = [0, 1152], sizes = [128, 128], strides = [1, 1]} : vector<128x1280xf32> to vector<128x128xf32>
    %slice3A_930 = vector.extract_strided_slice %dot_general3A_856 {offsets = [0, 1152], sizes = [128, 128], strides = [1, 1]} : vector<128x1280xf32> to vector<128x128xf32>
    %add3A_931 = arith.constant 1.000000e+01 : f32
    %add3A_932 = arith.addf %convert_element_type3A_11, %add3A_931 : f32
    %mul3A_933 = arith.constant 5.000000e+01 : f32
    %mul3A_934 = arith.mulf %add3A_932, %mul3A_933 : f32
    %add3A_935 = arith.constant 1.900000e+01 : f32
    %add3A_936 = arith.addf %mul3A_934, %add3A_935 : f32
    %ge3A_937 = arith.cmpf oge, %slice3A_857, %slice3A_865 : vector<128x128xf32>
    %select_n3A_938 = arith.select %ge3A_937, %slice3A_857, %slice3A_865 : vector<128x128xi1>, vector<128x128xf32>
    %select_n3A_939 = arith.select %ge3A_937, %slice3A_858, %slice3A_866 : vector<128x128xi1>, vector<128x128xf32>
    %broadcast_in_dim3A_940 = vector.broadcast %add3A_864 : f32 to vector<128x128xf32>
    %broadcast_in_dim3A_941 = vector.broadcast %add3A_872 : f32 to vector<128x128xf32>
    %select_n3A_942 = arith.select %ge3A_937, %broadcast_in_dim3A_940, %broadcast_in_dim3A_941 : vector<128x128xi1>, vector<128x128xf32>
    %ge3A_943 = arith.cmpf oge, %slice3A_873, %slice3A_881 : vector<128x128xf32>
    %select_n3A_944 = arith.select %ge3A_943, %slice3A_873, %slice3A_881 : vector<128x128xi1>, vector<128x128xf32>
    %select_n3A_945 = arith.select %ge3A_943, %slice3A_874, %slice3A_882 : vector<128x128xi1>, vector<128x128xf32>
    %broadcast_in_dim3A_946 = vector.broadcast %add3A_880 : f32 to vector<128x128xf32>
    %broadcast_in_dim3A_947 = vector.broadcast %add3A_888 : f32 to vector<128x128xf32>
    %select_n3A_948 = arith.select %ge3A_943, %broadcast_in_dim3A_946, %broadcast_in_dim3A_947 : vector<128x128xi1>, vector<128x128xf32>
    %ge3A_949 = arith.cmpf oge, %slice3A_889, %slice3A_897 : vector<128x128xf32>
    %select_n3A_950 = arith.select %ge3A_949, %slice3A_889, %slice3A_897 : vector<128x128xi1>, vector<128x128xf32>
    %select_n3A_951 = arith.select %ge3A_949, %slice3A_890, %slice3A_898 : vector<128x128xi1>, vector<128x128xf32>
    %broadcast_in_dim3A_952 = vector.broadcast %add3A_896 : f32 to vector<128x128xf32>
    %broadcast_in_dim3A_953 = vector.broadcast %add3A_904 : f32 to vector<128x128xf32>
    %select_n3A_954 = arith.select %ge3A_949, %broadcast_in_dim3A_952, %broadcast_in_dim3A_953 : vector<128x128xi1>, vector<128x128xf32>
    %ge3A_955 = arith.cmpf oge, %slice3A_905, %slice3A_913 : vector<128x128xf32>
    %select_n3A_956 = arith.select %ge3A_955, %slice3A_905, %slice3A_913 : vector<128x128xi1>, vector<128x128xf32>
    %select_n3A_957 = arith.select %ge3A_955, %slice3A_906, %slice3A_914 : vector<128x128xi1>, vector<128x128xf32>
    %broadcast_in_dim3A_958 = vector.broadcast %add3A_912 : f32 to vector<128x128xf32>
    %broadcast_in_dim3A_959 = vector.broadcast %add3A_920 : f32 to vector<128x128xf32>
    %select_n3A_960 = arith.select %ge3A_955, %broadcast_in_dim3A_958, %broadcast_in_dim3A_959 : vector<128x128xi1>, vector<128x128xf32>
    %ge3A_961 = arith.cmpf oge, %slice3A_921, %slice3A_929 : vector<128x128xf32>
    %select_n3A_962 = arith.select %ge3A_961, %slice3A_921, %slice3A_929 : vector<128x128xi1>, vector<128x128xf32>
    %select_n3A_963 = arith.select %ge3A_961, %slice3A_922, %slice3A_930 : vector<128x128xi1>, vector<128x128xf32>
    %broadcast_in_dim3A_964 = vector.broadcast %add3A_928 : f32 to vector<128x128xf32>
    %broadcast_in_dim3A_965 = vector.broadcast %add3A_936 : f32 to vector<128x128xf32>
    %select_n3A_966 = arith.select %ge3A_961, %broadcast_in_dim3A_964, %broadcast_in_dim3A_965 : vector<128x128xi1>, vector<128x128xf32>
    %ge3A_967 = arith.cmpf oge, %select_n3A_938, %select_n3A_944 : vector<128x128xf32>
    %select_n3A_968 = arith.select %ge3A_967, %select_n3A_938, %select_n3A_944 : vector<128x128xi1>, vector<128x128xf32>
    %select_n3A_969 = arith.select %ge3A_967, %select_n3A_939, %select_n3A_945 : vector<128x128xi1>, vector<128x128xf32>
    %select_n3A_970 = arith.select %ge3A_967, %select_n3A_942, %select_n3A_948 : vector<128x128xi1>, vector<128x128xf32>
    %ge3A_971 = arith.cmpf oge, %select_n3A_950, %select_n3A_956 : vector<128x128xf32>
    %select_n3A_972 = arith.select %ge3A_971, %select_n3A_950, %select_n3A_956 : vector<128x128xi1>, vector<128x128xf32>
    %select_n3A_973 = arith.select %ge3A_971, %select_n3A_951, %select_n3A_957 : vector<128x128xi1>, vector<128x128xf32>
    %select_n3A_974 = arith.select %ge3A_971, %select_n3A_954, %select_n3A_960 : vector<128x128xi1>, vector<128x128xf32>
    %ge3A_975 = arith.cmpf oge, %select_n3A_968, %select_n3A_972 : vector<128x128xf32>
    %select_n3A_976 = arith.select %ge3A_975, %select_n3A_968, %select_n3A_972 : vector<128x128xi1>, vector<128x128xf32>
    %select_n3A_977 = arith.select %ge3A_975, %select_n3A_969, %select_n3A_973 : vector<128x128xi1>, vector<128x128xf32>
    %select_n3A_978 = arith.select %ge3A_975, %select_n3A_970, %select_n3A_974 : vector<128x128xi1>, vector<128x128xf32>
    %ge3A_979 = arith.cmpf oge, %select_n3A_976, %select_n3A_962 : vector<128x128xf32>
    %select_n3A_980 = arith.select %ge3A_979, %select_n3A_976, %select_n3A_962 : vector<128x128xi1>, vector<128x128xf32>
    %select_n3A_981 = arith.select %ge3A_979, %select_n3A_977, %select_n3A_963 : vector<128x128xi1>, vector<128x128xf32>
    %select_n3A_982 = arith.select %ge3A_979, %select_n3A_978, %select_n3A_966 : vector<128x128xi1>, vector<128x128xf32>
    %gt3A_983 = arith.cmpf ogt, %select_n3A_980, %select_n3A_846 : vector<128x128xf32>
    %select_n3A_984 = arith.select %gt3A_983, %select_n3A_980, %select_n3A_846 : vector<128x128xi1>, vector<128x128xf32>
    %select_n3A_985 = arith.select %gt3A_983, %select_n3A_981, %select_n3A_847 : vector<128x128xi1>, vector<128x128xf32>
    %select_n3A_986 = arith.select %gt3A_983, %select_n3A_982, %select_n3A_848 : vector<128x128xi1>, vector<128x128xf32>
    %get3A_987 = arith.constant 2560 : index
    %get3A_988 = arith.constant 0 : index
    %get3A_989 = vector.load %arg22[%get3A_987, %get3A_988] : memref<6400x128xf32, #tpu.memory_space<vmem>>, vector<1280x128xf32>
    %convert_element_type3A_990 = arith.truncf %get3A_989 : vector<1280x128xf32> to vector<1280x128xbf16>
    %dot_general3A_991 = arith.constant dense<0.000000e+00> : vector<128x1280xf32>
    %dot_general3A_992 = tpu.matmul %convert_element_type3A_4, %convert_element_type3A_990, %dot_general3A_991 {dimension_numbers = #tpu.dot_dimension_numbers<[1], [1], [0], [0], [0, 0, 1, 0], [], []>, transpose_lhs_hint = false} : vector<128x128xbf16>, vector<1280x128xbf16>, vector<128x1280xf32> -> vector<128x1280xf32>
    %dot_general3A_993 = arith.constant dense<0.000000e+00> : vector<128x1280xf32>
    %dot_general3A_994 = tpu.matmul %convert_element_type3A_8, %convert_element_type3A_990, %dot_general3A_993 {dimension_numbers = #tpu.dot_dimension_numbers<[1], [1], [0], [0], [0, 0, 1, 0], [], []>, transpose_lhs_hint = false} : vector<128x128xbf16>, vector<1280x128xbf16>, vector<128x1280xf32> -> vector<128x1280xf32>
    %slice3A_995 = vector.extract_strided_slice %dot_general3A_992 {offsets = [0, 0], sizes = [128, 128], strides = [1, 1]} : vector<128x1280xf32> to vector<128x128xf32>
    %slice3A_996 = vector.extract_strided_slice %dot_general3A_994 {offsets = [0, 0], sizes = [128, 128], strides = [1, 1]} : vector<128x1280xf32> to vector<128x128xf32>
    %add3A_997 = arith.constant 1.000000e+01 : f32
    %add3A_998 = arith.addf %convert_element_type3A_11, %add3A_997 : f32
    %mul3A_999 = arith.constant 5.000000e+01 : f32
    %mul3A_1000 = arith.mulf %add3A_998, %mul3A_999 : f32
    %add3A_1001 = arith.constant 2.000000e+01 : f32
    %add3A_1002 = arith.addf %mul3A_1000, %add3A_1001 : f32
    %slice3A_1003 = vector.extract_strided_slice %dot_general3A_992 {offsets = [0, 128], sizes = [128, 128], strides = [1, 1]} : vector<128x1280xf32> to vector<128x128xf32>
    %slice3A_1004 = vector.extract_strided_slice %dot_general3A_994 {offsets = [0, 128], sizes = [128, 128], strides = [1, 1]} : vector<128x1280xf32> to vector<128x128xf32>
    %add3A_1005 = arith.constant 1.000000e+01 : f32
    %add3A_1006 = arith.addf %convert_element_type3A_11, %add3A_1005 : f32
    %mul3A_1007 = arith.constant 5.000000e+01 : f32
    %mul3A_1008 = arith.mulf %add3A_1006, %mul3A_1007 : f32
    %add3A_1009 = arith.constant 2.100000e+01 : f32
    %add3A_1010 = arith.addf %mul3A_1008, %add3A_1009 : f32
    %slice3A_1011 = vector.extract_strided_slice %dot_general3A_992 {offsets = [0, 256], sizes = [128, 128], strides = [1, 1]} : vector<128x1280xf32> to vector<128x128xf32>
    %slice3A_1012 = vector.extract_strided_slice %dot_general3A_994 {offsets = [0, 256], sizes = [128, 128], strides = [1, 1]} : vector<128x1280xf32> to vector<128x128xf32>
    %add3A_1013 = arith.constant 1.000000e+01 : f32
    %add3A_1014 = arith.addf %convert_element_type3A_11, %add3A_1013 : f32
    %mul3A_1015 = arith.constant 5.000000e+01 : f32
    %mul3A_1016 = arith.mulf %add3A_1014, %mul3A_1015 : f32
    %add3A_1017 = arith.constant 2.200000e+01 : f32
    %add3A_1018 = arith.addf %mul3A_1016, %add3A_1017 : f32
    %slice3A_1019 = vector.extract_strided_slice %dot_general3A_992 {offsets = [0, 384], sizes = [128, 128], strides = [1, 1]} : vector<128x1280xf32> to vector<128x128xf32>
    %slice3A_1020 = vector.extract_strided_slice %dot_general3A_994 {offsets = [0, 384], sizes = [128, 128], strides = [1, 1]} : vector<128x1280xf32> to vector<128x128xf32>
    %add3A_1021 = arith.constant 1.000000e+01 : f32
    %add3A_1022 = arith.addf %convert_element_type3A_11, %add3A_1021 : f32
    %mul3A_1023 = arith.constant 5.000000e+01 : f32
    %mul3A_1024 = arith.mulf %add3A_1022, %mul3A_1023 : f32
    %add3A_1025 = arith.constant 2.300000e+01 : f32
    %add3A_1026 = arith.addf %mul3A_1024, %add3A_1025 : f32
    %slice3A_1027 = vector.extract_strided_slice %dot_general3A_992 {offsets = [0, 512], sizes = [128, 128], strides = [1, 1]} : vector<128x1280xf32> to vector<128x128xf32>
    %slice3A_1028 = vector.extract_strided_slice %dot_general3A_994 {offsets = [0, 512], sizes = [128, 128], strides = [1, 1]} : vector<128x1280xf32> to vector<128x128xf32>
    %add3A_1029 = arith.constant 1.000000e+01 : f32
    %add3A_1030 = arith.addf %convert_element_type3A_11, %add3A_1029 : f32
    %mul3A_1031 = arith.constant 5.000000e+01 : f32
    %mul3A_1032 = arith.mulf %add3A_1030, %mul3A_1031 : f32
    %add3A_1033 = arith.constant 2.400000e+01 : f32
    %add3A_1034 = arith.addf %mul3A_1032, %add3A_1033 : f32
    %slice3A_1035 = vector.extract_strided_slice %dot_general3A_992 {offsets = [0, 640], sizes = [128, 128], strides = [1, 1]} : vector<128x1280xf32> to vector<128x128xf32>
    %slice3A_1036 = vector.extract_strided_slice %dot_general3A_994 {offsets = [0, 640], sizes = [128, 128], strides = [1, 1]} : vector<128x1280xf32> to vector<128x128xf32>
    %add3A_1037 = arith.constant 1.000000e+01 : f32
    %add3A_1038 = arith.addf %convert_element_type3A_11, %add3A_1037 : f32
    %mul3A_1039 = arith.constant 5.000000e+01 : f32
    %mul3A_1040 = arith.mulf %add3A_1038, %mul3A_1039 : f32
    %add3A_1041 = arith.constant 2.500000e+01 : f32
    %add3A_1042 = arith.addf %mul3A_1040, %add3A_1041 : f32
    %slice3A_1043 = vector.extract_strided_slice %dot_general3A_992 {offsets = [0, 768], sizes = [128, 128], strides = [1, 1]} : vector<128x1280xf32> to vector<128x128xf32>
    %slice3A_1044 = vector.extract_strided_slice %dot_general3A_994 {offsets = [0, 768], sizes = [128, 128], strides = [1, 1]} : vector<128x1280xf32> to vector<128x128xf32>
    %add3A_1045 = arith.constant 1.000000e+01 : f32
    %add3A_1046 = arith.addf %convert_element_type3A_11, %add3A_1045 : f32
    %mul3A_1047 = arith.constant 5.000000e+01 : f32
    %mul3A_1048 = arith.mulf %add3A_1046, %mul3A_1047 : f32
    %add3A_1049 = arith.constant 2.600000e+01 : f32
    %add3A_1050 = arith.addf %mul3A_1048, %add3A_1049 : f32
    %slice3A_1051 = vector.extract_strided_slice %dot_general3A_992 {offsets = [0, 896], sizes = [128, 128], strides = [1, 1]} : vector<128x1280xf32> to vector<128x128xf32>
    %slice3A_1052 = vector.extract_strided_slice %dot_general3A_994 {offsets = [0, 896], sizes = [128, 128], strides = [1, 1]} : vector<128x1280xf32> to vector<128x128xf32>
    %add3A_1053 = arith.constant 1.000000e+01 : f32
    %add3A_1054 = arith.addf %convert_element_type3A_11, %add3A_1053 : f32
    %mul3A_1055 = arith.constant 5.000000e+01 : f32
    %mul3A_1056 = arith.mulf %add3A_1054, %mul3A_1055 : f32
    %add3A_1057 = arith.constant 2.700000e+01 : f32
    %add3A_1058 = arith.addf %mul3A_1056, %add3A_1057 : f32
    %slice3A_1059 = vector.extract_strided_slice %dot_general3A_992 {offsets = [0, 1024], sizes = [128, 128], strides = [1, 1]} : vector<128x1280xf32> to vector<128x128xf32>
    %slice3A_1060 = vector.extract_strided_slice %dot_general3A_994 {offsets = [0, 1024], sizes = [128, 128], strides = [1, 1]} : vector<128x1280xf32> to vector<128x128xf32>
    %add3A_1061 = arith.constant 1.000000e+01 : f32
    %add3A_1062 = arith.addf %convert_element_type3A_11, %add3A_1061 : f32
    %mul3A_1063 = arith.constant 5.000000e+01 : f32
    %mul3A_1064 = arith.mulf %add3A_1062, %mul3A_1063 : f32
    %add3A_1065 = arith.constant 2.800000e+01 : f32
    %add3A_1066 = arith.addf %mul3A_1064, %add3A_1065 : f32
    %slice3A_1067 = vector.extract_strided_slice %dot_general3A_992 {offsets = [0, 1152], sizes = [128, 128], strides = [1, 1]} : vector<128x1280xf32> to vector<128x128xf32>
    %slice3A_1068 = vector.extract_strided_slice %dot_general3A_994 {offsets = [0, 1152], sizes = [128, 128], strides = [1, 1]} : vector<128x1280xf32> to vector<128x128xf32>
    %add3A_1069 = arith.constant 1.000000e+01 : f32
    %add3A_1070 = arith.addf %convert_element_type3A_11, %add3A_1069 : f32
    %mul3A_1071 = arith.constant 5.000000e+01 : f32
    %mul3A_1072 = arith.mulf %add3A_1070, %mul3A_1071 : f32
    %add3A_1073 = arith.constant 2.900000e+01 : f32
    %add3A_1074 = arith.addf %mul3A_1072, %add3A_1073 : f32
    %ge3A_1075 = arith.cmpf oge, %slice3A_995, %slice3A_1003 : vector<128x128xf32>
    %select_n3A_1076 = arith.select %ge3A_1075, %slice3A_995, %slice3A_1003 : vector<128x128xi1>, vector<128x128xf32>
    %select_n3A_1077 = arith.select %ge3A_1075, %slice3A_996, %slice3A_1004 : vector<128x128xi1>, vector<128x128xf32>
    %broadcast_in_dim3A_1078 = vector.broadcast %add3A_1002 : f32 to vector<128x128xf32>
    %broadcast_in_dim3A_1079 = vector.broadcast %add3A_1010 : f32 to vector<128x128xf32>
    %select_n3A_1080 = arith.select %ge3A_1075, %broadcast_in_dim3A_1078, %broadcast_in_dim3A_1079 : vector<128x128xi1>, vector<128x128xf32>
    %ge3A_1081 = arith.cmpf oge, %slice3A_1011, %slice3A_1019 : vector<128x128xf32>
    %select_n3A_1082 = arith.select %ge3A_1081, %slice3A_1011, %slice3A_1019 : vector<128x128xi1>, vector<128x128xf32>
    %select_n3A_1083 = arith.select %ge3A_1081, %slice3A_1012, %slice3A_1020 : vector<128x128xi1>, vector<128x128xf32>
    %broadcast_in_dim3A_1084 = vector.broadcast %add3A_1018 : f32 to vector<128x128xf32>
    %broadcast_in_dim3A_1085 = vector.broadcast %add3A_1026 : f32 to vector<128x128xf32>
    %select_n3A_1086 = arith.select %ge3A_1081, %broadcast_in_dim3A_1084, %broadcast_in_dim3A_1085 : vector<128x128xi1>, vector<128x128xf32>
    %ge3A_1087 = arith.cmpf oge, %slice3A_1027, %slice3A_1035 : vector<128x128xf32>
    %select_n3A_1088 = arith.select %ge3A_1087, %slice3A_1027, %slice3A_1035 : vector<128x128xi1>, vector<128x128xf32>
    %select_n3A_1089 = arith.select %ge3A_1087, %slice3A_1028, %slice3A_1036 : vector<128x128xi1>, vector<128x128xf32>
    %broadcast_in_dim3A_1090 = vector.broadcast %add3A_1034 : f32 to vector<128x128xf32>
    %broadcast_in_dim3A_1091 = vector.broadcast %add3A_1042 : f32 to vector<128x128xf32>
    %select_n3A_1092 = arith.select %ge3A_1087, %broadcast_in_dim3A_1090, %broadcast_in_dim3A_1091 : vector<128x128xi1>, vector<128x128xf32>
    %ge3A_1093 = arith.cmpf oge, %slice3A_1043, %slice3A_1051 : vector<128x128xf32>
    %select_n3A_1094 = arith.select %ge3A_1093, %slice3A_1043, %slice3A_1051 : vector<128x128xi1>, vector<128x128xf32>
    %select_n3A_1095 = arith.select %ge3A_1093, %slice3A_1044, %slice3A_1052 : vector<128x128xi1>, vector<128x128xf32>
    %broadcast_in_dim3A_1096 = vector.broadcast %add3A_1050 : f32 to vector<128x128xf32>
    %broadcast_in_dim3A_1097 = vector.broadcast %add3A_1058 : f32 to vector<128x128xf32>
    %select_n3A_1098 = arith.select %ge3A_1093, %broadcast_in_dim3A_1096, %broadcast_in_dim3A_1097 : vector<128x128xi1>, vector<128x128xf32>
    %ge3A_1099 = arith.cmpf oge, %slice3A_1059, %slice3A_1067 : vector<128x128xf32>
    %select_n3A_1100 = arith.select %ge3A_1099, %slice3A_1059, %slice3A_1067 : vector<128x128xi1>, vector<128x128xf32>
    %select_n3A_1101 = arith.select %ge3A_1099, %slice3A_1060, %slice3A_1068 : vector<128x128xi1>, vector<128x128xf32>
    %broadcast_in_dim3A_1102 = vector.broadcast %add3A_1066 : f32 to vector<128x128xf32>
    %broadcast_in_dim3A_1103 = vector.broadcast %add3A_1074 : f32 to vector<128x128xf32>
    %select_n3A_1104 = arith.select %ge3A_1099, %broadcast_in_dim3A_1102, %broadcast_in_dim3A_1103 : vector<128x128xi1>, vector<128x128xf32>
    %ge3A_1105 = arith.cmpf oge, %select_n3A_1076, %select_n3A_1082 : vector<128x128xf32>
    %select_n3A_1106 = arith.select %ge3A_1105, %select_n3A_1076, %select_n3A_1082 : vector<128x128xi1>, vector<128x128xf32>
    %select_n3A_1107 = arith.select %ge3A_1105, %select_n3A_1077, %select_n3A_1083 : vector<128x128xi1>, vector<128x128xf32>
    %select_n3A_1108 = arith.select %ge3A_1105, %select_n3A_1080, %select_n3A_1086 : vector<128x128xi1>, vector<128x128xf32>
    %ge3A_1109 = arith.cmpf oge, %select_n3A_1088, %select_n3A_1094 : vector<128x128xf32>
    %select_n3A_1110 = arith.select %ge3A_1109, %select_n3A_1088, %select_n3A_1094 : vector<128x128xi1>, vector<128x128xf32>
    %select_n3A_1111 = arith.select %ge3A_1109, %select_n3A_1089, %select_n3A_1095 : vector<128x128xi1>, vector<128x128xf32>
    %select_n3A_1112 = arith.select %ge3A_1109, %select_n3A_1092, %select_n3A_1098 : vector<128x128xi1>, vector<128x128xf32>
    %ge3A_1113 = arith.cmpf oge, %select_n3A_1106, %select_n3A_1110 : vector<128x128xf32>
    %select_n3A_1114 = arith.select %ge3A_1113, %select_n3A_1106, %select_n3A_1110 : vector<128x128xi1>, vector<128x128xf32>
    %select_n3A_1115 = arith.select %ge3A_1113, %select_n3A_1107, %select_n3A_1111 : vector<128x128xi1>, vector<128x128xf32>
    %select_n3A_1116 = arith.select %ge3A_1113, %select_n3A_1108, %select_n3A_1112 : vector<128x128xi1>, vector<128x128xf32>
    %ge3A_1117 = arith.cmpf oge, %select_n3A_1114, %select_n3A_1100 : vector<128x128xf32>
    %select_n3A_1118 = arith.select %ge3A_1117, %select_n3A_1114, %select_n3A_1100 : vector<128x128xi1>, vector<128x128xf32>
    %select_n3A_1119 = arith.select %ge3A_1117, %select_n3A_1115, %select_n3A_1101 : vector<128x128xi1>, vector<128x128xf32>
    %select_n3A_1120 = arith.select %ge3A_1117, %select_n3A_1116, %select_n3A_1104 : vector<128x128xi1>, vector<128x128xf32>
    %gt3A_1121 = arith.cmpf ogt, %select_n3A_1118, %select_n3A_984 : vector<128x128xf32>
    %select_n3A_1122 = arith.select %gt3A_1121, %select_n3A_1118, %select_n3A_984 : vector<128x128xi1>, vector<128x128xf32>
    %select_n3A_1123 = arith.select %gt3A_1121, %select_n3A_1119, %select_n3A_985 : vector<128x128xi1>, vector<128x128xf32>
    %select_n3A_1124 = arith.select %gt3A_1121, %select_n3A_1120, %select_n3A_986 : vector<128x128xi1>, vector<128x128xf32>
    %get3A_1125 = arith.constant 3840 : index
    %get3A_1126 = arith.constant 0 : index
    %get3A_1127 = vector.load %arg22[%get3A_1125, %get3A_1126] : memref<6400x128xf32, #tpu.memory_space<vmem>>, vector<1280x128xf32>
    %convert_element_type3A_1128 = arith.truncf %get3A_1127 : vector<1280x128xf32> to vector<1280x128xbf16>
    %dot_general3A_1129 = arith.constant dense<0.000000e+00> : vector<128x1280xf32>
    %dot_general3A_1130 = tpu.matmul %convert_element_type3A_4, %convert_element_type3A_1128, %dot_general3A_1129 {dimension_numbers = #tpu.dot_dimension_numbers<[1], [1], [0], [0], [0, 0, 1, 0], [], []>, transpose_lhs_hint = false} : vector<128x128xbf16>, vector<1280x128xbf16>, vector<128x1280xf32> -> vector<128x1280xf32>
    %dot_general3A_1131 = arith.constant dense<0.000000e+00> : vector<128x1280xf32>
    %dot_general3A_1132 = tpu.matmul %convert_element_type3A_8, %convert_element_type3A_1128, %dot_general3A_1131 {dimension_numbers = #tpu.dot_dimension_numbers<[1], [1], [0], [0], [0, 0, 1, 0], [], []>, transpose_lhs_hint = false} : vector<128x128xbf16>, vector<1280x128xbf16>, vector<128x1280xf32> -> vector<128x1280xf32>
    %slice3A_1133 = vector.extract_strided_slice %dot_general3A_1130 {offsets = [0, 0], sizes = [128, 128], strides = [1, 1]} : vector<128x1280xf32> to vector<128x128xf32>
    %slice3A_1134 = vector.extract_strided_slice %dot_general3A_1132 {offsets = [0, 0], sizes = [128, 128], strides = [1, 1]} : vector<128x1280xf32> to vector<128x128xf32>
    %add3A_1135 = arith.constant 1.000000e+01 : f32
    %add3A_1136 = arith.addf %convert_element_type3A_11, %add3A_1135 : f32
    %mul3A_1137 = arith.constant 5.000000e+01 : f32
    %mul3A_1138 = arith.mulf %add3A_1136, %mul3A_1137 : f32
    %add3A_1139 = arith.constant 3.000000e+01 : f32
    %add3A_1140 = arith.addf %mul3A_1138, %add3A_1139 : f32
    %slice3A_1141 = vector.extract_strided_slice %dot_general3A_1130 {offsets = [0, 128], sizes = [128, 128], strides = [1, 1]} : vector<128x1280xf32> to vector<128x128xf32>
    %slice3A_1142 = vector.extract_strided_slice %dot_general3A_1132 {offsets = [0, 128], sizes = [128, 128], strides = [1, 1]} : vector<128x1280xf32> to vector<128x128xf32>
    %add3A_1143 = arith.constant 1.000000e+01 : f32
    %add3A_1144 = arith.addf %convert_element_type3A_11, %add3A_1143 : f32
    %mul3A_1145 = arith.constant 5.000000e+01 : f32
    %mul3A_1146 = arith.mulf %add3A_1144, %mul3A_1145 : f32
    %add3A_1147 = arith.constant 3.100000e+01 : f32
    %add3A_1148 = arith.addf %mul3A_1146, %add3A_1147 : f32
    %slice3A_1149 = vector.extract_strided_slice %dot_general3A_1130 {offsets = [0, 256], sizes = [128, 128], strides = [1, 1]} : vector<128x1280xf32> to vector<128x128xf32>
    %slice3A_1150 = vector.extract_strided_slice %dot_general3A_1132 {offsets = [0, 256], sizes = [128, 128], strides = [1, 1]} : vector<128x1280xf32> to vector<128x128xf32>
    %add3A_1151 = arith.constant 1.000000e+01 : f32
    %add3A_1152 = arith.addf %convert_element_type3A_11, %add3A_1151 : f32
    %mul3A_1153 = arith.constant 5.000000e+01 : f32
    %mul3A_1154 = arith.mulf %add3A_1152, %mul3A_1153 : f32
    %add3A_1155 = arith.constant 3.200000e+01 : f32
    %add3A_1156 = arith.addf %mul3A_1154, %add3A_1155 : f32
    %slice3A_1157 = vector.extract_strided_slice %dot_general3A_1130 {offsets = [0, 384], sizes = [128, 128], strides = [1, 1]} : vector<128x1280xf32> to vector<128x128xf32>
    %slice3A_1158 = vector.extract_strided_slice %dot_general3A_1132 {offsets = [0, 384], sizes = [128, 128], strides = [1, 1]} : vector<128x1280xf32> to vector<128x128xf32>
    %add3A_1159 = arith.constant 1.000000e+01 : f32
    %add3A_1160 = arith.addf %convert_element_type3A_11, %add3A_1159 : f32
    %mul3A_1161 = arith.constant 5.000000e+01 : f32
    %mul3A_1162 = arith.mulf %add3A_1160, %mul3A_1161 : f32
    %add3A_1163 = arith.constant 3.300000e+01 : f32
    %add3A_1164 = arith.addf %mul3A_1162, %add3A_1163 : f32
    %slice3A_1165 = vector.extract_strided_slice %dot_general3A_1130 {offsets = [0, 512], sizes = [128, 128], strides = [1, 1]} : vector<128x1280xf32> to vector<128x128xf32>
    %slice3A_1166 = vector.extract_strided_slice %dot_general3A_1132 {offsets = [0, 512], sizes = [128, 128], strides = [1, 1]} : vector<128x1280xf32> to vector<128x128xf32>
    %add3A_1167 = arith.constant 1.000000e+01 : f32
    %add3A_1168 = arith.addf %convert_element_type3A_11, %add3A_1167 : f32
    %mul3A_1169 = arith.constant 5.000000e+01 : f32
    %mul3A_1170 = arith.mulf %add3A_1168, %mul3A_1169 : f32
    %add3A_1171 = arith.constant 3.400000e+01 : f32
    %add3A_1172 = arith.addf %mul3A_1170, %add3A_1171 : f32
    %slice3A_1173 = vector.extract_strided_slice %dot_general3A_1130 {offsets = [0, 640], sizes = [128, 128], strides = [1, 1]} : vector<128x1280xf32> to vector<128x128xf32>
    %slice3A_1174 = vector.extract_strided_slice %dot_general3A_1132 {offsets = [0, 640], sizes = [128, 128], strides = [1, 1]} : vector<128x1280xf32> to vector<128x128xf32>
    %add3A_1175 = arith.constant 1.000000e+01 : f32
    %add3A_1176 = arith.addf %convert_element_type3A_11, %add3A_1175 : f32
    %mul3A_1177 = arith.constant 5.000000e+01 : f32
    %mul3A_1178 = arith.mulf %add3A_1176, %mul3A_1177 : f32
    %add3A_1179 = arith.constant 3.500000e+01 : f32
    %add3A_1180 = arith.addf %mul3A_1178, %add3A_1179 : f32
    %slice3A_1181 = vector.extract_strided_slice %dot_general3A_1130 {offsets = [0, 768], sizes = [128, 128], strides = [1, 1]} : vector<128x1280xf32> to vector<128x128xf32>
    %slice3A_1182 = vector.extract_strided_slice %dot_general3A_1132 {offsets = [0, 768], sizes = [128, 128], strides = [1, 1]} : vector<128x1280xf32> to vector<128x128xf32>
    %add3A_1183 = arith.constant 1.000000e+01 : f32
    %add3A_1184 = arith.addf %convert_element_type3A_11, %add3A_1183 : f32
    %mul3A_1185 = arith.constant 5.000000e+01 : f32
    %mul3A_1186 = arith.mulf %add3A_1184, %mul3A_1185 : f32
    %add3A_1187 = arith.constant 3.600000e+01 : f32
    %add3A_1188 = arith.addf %mul3A_1186, %add3A_1187 : f32
    %slice3A_1189 = vector.extract_strided_slice %dot_general3A_1130 {offsets = [0, 896], sizes = [128, 128], strides = [1, 1]} : vector<128x1280xf32> to vector<128x128xf32>
    %slice3A_1190 = vector.extract_strided_slice %dot_general3A_1132 {offsets = [0, 896], sizes = [128, 128], strides = [1, 1]} : vector<128x1280xf32> to vector<128x128xf32>
    %add3A_1191 = arith.constant 1.000000e+01 : f32
    %add3A_1192 = arith.addf %convert_element_type3A_11, %add3A_1191 : f32
    %mul3A_1193 = arith.constant 5.000000e+01 : f32
    %mul3A_1194 = arith.mulf %add3A_1192, %mul3A_1193 : f32
    %add3A_1195 = arith.constant 3.700000e+01 : f32
    %add3A_1196 = arith.addf %mul3A_1194, %add3A_1195 : f32
    %slice3A_1197 = vector.extract_strided_slice %dot_general3A_1130 {offsets = [0, 1024], sizes = [128, 128], strides = [1, 1]} : vector<128x1280xf32> to vector<128x128xf32>
    %slice3A_1198 = vector.extract_strided_slice %dot_general3A_1132 {offsets = [0, 1024], sizes = [128, 128], strides = [1, 1]} : vector<128x1280xf32> to vector<128x128xf32>
    %add3A_1199 = arith.constant 1.000000e+01 : f32
    %add3A_1200 = arith.addf %convert_element_type3A_11, %add3A_1199 : f32
    %mul3A_1201 = arith.constant 5.000000e+01 : f32
    %mul3A_1202 = arith.mulf %add3A_1200, %mul3A_1201 : f32
    %add3A_1203 = arith.constant 3.800000e+01 : f32
    %add3A_1204 = arith.addf %mul3A_1202, %add3A_1203 : f32
    %slice3A_1205 = vector.extract_strided_slice %dot_general3A_1130 {offsets = [0, 1152], sizes = [128, 128], strides = [1, 1]} : vector<128x1280xf32> to vector<128x128xf32>
    %slice3A_1206 = vector.extract_strided_slice %dot_general3A_1132 {offsets = [0, 1152], sizes = [128, 128], strides = [1, 1]} : vector<128x1280xf32> to vector<128x128xf32>
    %add3A_1207 = arith.constant 1.000000e+01 : f32
    %add3A_1208 = arith.addf %convert_element_type3A_11, %add3A_1207 : f32
    %mul3A_1209 = arith.constant 5.000000e+01 : f32
    %mul3A_1210 = arith.mulf %add3A_1208, %mul3A_1209 : f32
    %add3A_1211 = arith.constant 3.900000e+01 : f32
    %add3A_1212 = arith.addf %mul3A_1210, %add3A_1211 : f32
    %ge3A_1213 = arith.cmpf oge, %slice3A_1133, %slice3A_1141 : vector<128x128xf32>
    %select_n3A_1214 = arith.select %ge3A_1213, %slice3A_1133, %slice3A_1141 : vector<128x128xi1>, vector<128x128xf32>
    %select_n3A_1215 = arith.select %ge3A_1213, %slice3A_1134, %slice3A_1142 : vector<128x128xi1>, vector<128x128xf32>
    %broadcast_in_dim3A_1216 = vector.broadcast %add3A_1140 : f32 to vector<128x128xf32>
    %broadcast_in_dim3A_1217 = vector.broadcast %add3A_1148 : f32 to vector<128x128xf32>
    %select_n3A_1218 = arith.select %ge3A_1213, %broadcast_in_dim3A_1216, %broadcast_in_dim3A_1217 : vector<128x128xi1>, vector<128x128xf32>
    %ge3A_1219 = arith.cmpf oge, %slice3A_1149, %slice3A_1157 : vector<128x128xf32>
    %select_n3A_1220 = arith.select %ge3A_1219, %slice3A_1149, %slice3A_1157 : vector<128x128xi1>, vector<128x128xf32>
    %select_n3A_1221 = arith.select %ge3A_1219, %slice3A_1150, %slice3A_1158 : vector<128x128xi1>, vector<128x128xf32>
    %broadcast_in_dim3A_1222 = vector.broadcast %add3A_1156 : f32 to vector<128x128xf32>
    %broadcast_in_dim3A_1223 = vector.broadcast %add3A_1164 : f32 to vector<128x128xf32>
    %select_n3A_1224 = arith.select %ge3A_1219, %broadcast_in_dim3A_1222, %broadcast_in_dim3A_1223 : vector<128x128xi1>, vector<128x128xf32>
    %ge3A_1225 = arith.cmpf oge, %slice3A_1165, %slice3A_1173 : vector<128x128xf32>
    %select_n3A_1226 = arith.select %ge3A_1225, %slice3A_1165, %slice3A_1173 : vector<128x128xi1>, vector<128x128xf32>
    %select_n3A_1227 = arith.select %ge3A_1225, %slice3A_1166, %slice3A_1174 : vector<128x128xi1>, vector<128x128xf32>
    %broadcast_in_dim3A_1228 = vector.broadcast %add3A_1172 : f32 to vector<128x128xf32>
    %broadcast_in_dim3A_1229 = vector.broadcast %add3A_1180 : f32 to vector<128x128xf32>
    %select_n3A_1230 = arith.select %ge3A_1225, %broadcast_in_dim3A_1228, %broadcast_in_dim3A_1229 : vector<128x128xi1>, vector<128x128xf32>
    %ge3A_1231 = arith.cmpf oge, %slice3A_1181, %slice3A_1189 : vector<128x128xf32>
    %select_n3A_1232 = arith.select %ge3A_1231, %slice3A_1181, %slice3A_1189 : vector<128x128xi1>, vector<128x128xf32>
    %select_n3A_1233 = arith.select %ge3A_1231, %slice3A_1182, %slice3A_1190 : vector<128x128xi1>, vector<128x128xf32>
    %broadcast_in_dim3A_1234 = vector.broadcast %add3A_1188 : f32 to vector<128x128xf32>
    %broadcast_in_dim3A_1235 = vector.broadcast %add3A_1196 : f32 to vector<128x128xf32>
    %select_n3A_1236 = arith.select %ge3A_1231, %broadcast_in_dim3A_1234, %broadcast_in_dim3A_1235 : vector<128x128xi1>, vector<128x128xf32>
    %ge3A_1237 = arith.cmpf oge, %slice3A_1197, %slice3A_1205 : vector<128x128xf32>
    %select_n3A_1238 = arith.select %ge3A_1237, %slice3A_1197, %slice3A_1205 : vector<128x128xi1>, vector<128x128xf32>
    %select_n3A_1239 = arith.select %ge3A_1237, %slice3A_1198, %slice3A_1206 : vector<128x128xi1>, vector<128x128xf32>
    %broadcast_in_dim3A_1240 = vector.broadcast %add3A_1204 : f32 to vector<128x128xf32>
    %broadcast_in_dim3A_1241 = vector.broadcast %add3A_1212 : f32 to vector<128x128xf32>
    %select_n3A_1242 = arith.select %ge3A_1237, %broadcast_in_dim3A_1240, %broadcast_in_dim3A_1241 : vector<128x128xi1>, vector<128x128xf32>
    %ge3A_1243 = arith.cmpf oge, %select_n3A_1214, %select_n3A_1220 : vector<128x128xf32>
    %select_n3A_1244 = arith.select %ge3A_1243, %select_n3A_1214, %select_n3A_1220 : vector<128x128xi1>, vector<128x128xf32>
    %select_n3A_1245 = arith.select %ge3A_1243, %select_n3A_1215, %select_n3A_1221 : vector<128x128xi1>, vector<128x128xf32>
    %select_n3A_1246 = arith.select %ge3A_1243, %select_n3A_1218, %select_n3A_1224 : vector<128x128xi1>, vector<128x128xf32>
    %ge3A_1247 = arith.cmpf oge, %select_n3A_1226, %select_n3A_1232 : vector<128x128xf32>
    %select_n3A_1248 = arith.select %ge3A_1247, %select_n3A_1226, %select_n3A_1232 : vector<128x128xi1>, vector<128x128xf32>
    %select_n3A_1249 = arith.select %ge3A_1247, %select_n3A_1227, %select_n3A_1233 : vector<128x128xi1>, vector<128x128xf32>
    %select_n3A_1250 = arith.select %ge3A_1247, %select_n3A_1230, %select_n3A_1236 : vector<128x128xi1>, vector<128x128xf32>
    %ge3A_1251 = arith.cmpf oge, %select_n3A_1244, %select_n3A_1248 : vector<128x128xf32>
    %select_n3A_1252 = arith.select %ge3A_1251, %select_n3A_1244, %select_n3A_1248 : vector<128x128xi1>, vector<128x128xf32>
    %select_n3A_1253 = arith.select %ge3A_1251, %select_n3A_1245, %select_n3A_1249 : vector<128x128xi1>, vector<128x128xf32>
    %select_n3A_1254 = arith.select %ge3A_1251, %select_n3A_1246, %select_n3A_1250 : vector<128x128xi1>, vector<128x128xf32>
    %ge3A_1255 = arith.cmpf oge, %select_n3A_1252, %select_n3A_1238 : vector<128x128xf32>
    %select_n3A_1256 = arith.select %ge3A_1255, %select_n3A_1252, %select_n3A_1238 : vector<128x128xi1>, vector<128x128xf32>
    %select_n3A_1257 = arith.select %ge3A_1255, %select_n3A_1253, %select_n3A_1239 : vector<128x128xi1>, vector<128x128xf32>
    %select_n3A_1258 = arith.select %ge3A_1255, %select_n3A_1254, %select_n3A_1242 : vector<128x128xi1>, vector<128x128xf32>
    %gt3A_1259 = arith.cmpf ogt, %select_n3A_1256, %select_n3A_1122 : vector<128x128xf32>
    %select_n3A_1260 = arith.select %gt3A_1259, %select_n3A_1256, %select_n3A_1122 : vector<128x128xi1>, vector<128x128xf32>
    %select_n3A_1261 = arith.select %gt3A_1259, %select_n3A_1257, %select_n3A_1123 : vector<128x128xi1>, vector<128x128xf32>
    %select_n3A_1262 = arith.select %gt3A_1259, %select_n3A_1258, %select_n3A_1124 : vector<128x128xi1>, vector<128x128xf32>
    %get3A_1263 = arith.constant 5120 : index
    %get3A_1264 = arith.constant 0 : index
    %get3A_1265 = vector.load %arg22[%get3A_1263, %get3A_1264] : memref<6400x128xf32, #tpu.memory_space<vmem>>, vector<1280x128xf32>
    %convert_element_type3A_1266 = arith.truncf %get3A_1265 : vector<1280x128xf32> to vector<1280x128xbf16>
    %dot_general3A_1267 = arith.constant dense<0.000000e+00> : vector<128x1280xf32>
    %dot_general3A_1268 = tpu.matmul %convert_element_type3A_4, %convert_element_type3A_1266, %dot_general3A_1267 {dimension_numbers = #tpu.dot_dimension_numbers<[1], [1], [0], [0], [0, 0, 1, 0], [], []>, transpose_lhs_hint = false} : vector<128x128xbf16>, vector<1280x128xbf16>, vector<128x1280xf32> -> vector<128x1280xf32>
    %dot_general3A_1269 = arith.constant dense<0.000000e+00> : vector<128x1280xf32>
    %dot_general3A_1270 = tpu.matmul %convert_element_type3A_8, %convert_element_type3A_1266, %dot_general3A_1269 {dimension_numbers = #tpu.dot_dimension_numbers<[1], [1], [0], [0], [0, 0, 1, 0], [], []>, transpose_lhs_hint = false} : vector<128x128xbf16>, vector<1280x128xbf16>, vector<128x1280xf32> -> vector<128x1280xf32>
    %slice3A_1271 = vector.extract_strided_slice %dot_general3A_1268 {offsets = [0, 0], sizes = [128, 128], strides = [1, 1]} : vector<128x1280xf32> to vector<128x128xf32>
    %slice3A_1272 = vector.extract_strided_slice %dot_general3A_1270 {offsets = [0, 0], sizes = [128, 128], strides = [1, 1]} : vector<128x1280xf32> to vector<128x128xf32>
    %add3A_1273 = arith.constant 1.000000e+01 : f32
    %add3A_1274 = arith.addf %convert_element_type3A_11, %add3A_1273 : f32
    %mul3A_1275 = arith.constant 5.000000e+01 : f32
    %mul3A_1276 = arith.mulf %add3A_1274, %mul3A_1275 : f32
    %add3A_1277 = arith.constant 4.000000e+01 : f32
    %add3A_1278 = arith.addf %mul3A_1276, %add3A_1277 : f32
    %slice3A_1279 = vector.extract_strided_slice %dot_general3A_1268 {offsets = [0, 128], sizes = [128, 128], strides = [1, 1]} : vector<128x1280xf32> to vector<128x128xf32>
    %slice3A_1280 = vector.extract_strided_slice %dot_general3A_1270 {offsets = [0, 128], sizes = [128, 128], strides = [1, 1]} : vector<128x1280xf32> to vector<128x128xf32>
    %add3A_1281 = arith.constant 1.000000e+01 : f32
    %add3A_1282 = arith.addf %convert_element_type3A_11, %add3A_1281 : f32
    %mul3A_1283 = arith.constant 5.000000e+01 : f32
    %mul3A_1284 = arith.mulf %add3A_1282, %mul3A_1283 : f32
    %add3A_1285 = arith.constant 4.100000e+01 : f32
    %add3A_1286 = arith.addf %mul3A_1284, %add3A_1285 : f32
    %slice3A_1287 = vector.extract_strided_slice %dot_general3A_1268 {offsets = [0, 256], sizes = [128, 128], strides = [1, 1]} : vector<128x1280xf32> to vector<128x128xf32>
    %slice3A_1288 = vector.extract_strided_slice %dot_general3A_1270 {offsets = [0, 256], sizes = [128, 128], strides = [1, 1]} : vector<128x1280xf32> to vector<128x128xf32>
    %add3A_1289 = arith.constant 1.000000e+01 : f32
    %add3A_1290 = arith.addf %convert_element_type3A_11, %add3A_1289 : f32
    %mul3A_1291 = arith.constant 5.000000e+01 : f32
    %mul3A_1292 = arith.mulf %add3A_1290, %mul3A_1291 : f32
    %add3A_1293 = arith.constant 4.200000e+01 : f32
    %add3A_1294 = arith.addf %mul3A_1292, %add3A_1293 : f32
    %slice3A_1295 = vector.extract_strided_slice %dot_general3A_1268 {offsets = [0, 384], sizes = [128, 128], strides = [1, 1]} : vector<128x1280xf32> to vector<128x128xf32>
    %slice3A_1296 = vector.extract_strided_slice %dot_general3A_1270 {offsets = [0, 384], sizes = [128, 128], strides = [1, 1]} : vector<128x1280xf32> to vector<128x128xf32>
    %add3A_1297 = arith.constant 1.000000e+01 : f32
    %add3A_1298 = arith.addf %convert_element_type3A_11, %add3A_1297 : f32
    %mul3A_1299 = arith.constant 5.000000e+01 : f32
    %mul3A_1300 = arith.mulf %add3A_1298, %mul3A_1299 : f32
    %add3A_1301 = arith.constant 4.300000e+01 : f32
    %add3A_1302 = arith.addf %mul3A_1300, %add3A_1301 : f32
    %slice3A_1303 = vector.extract_strided_slice %dot_general3A_1268 {offsets = [0, 512], sizes = [128, 128], strides = [1, 1]} : vector<128x1280xf32> to vector<128x128xf32>
    %slice3A_1304 = vector.extract_strided_slice %dot_general3A_1270 {offsets = [0, 512], sizes = [128, 128], strides = [1, 1]} : vector<128x1280xf32> to vector<128x128xf32>
    %add3A_1305 = arith.constant 1.000000e+01 : f32
    %add3A_1306 = arith.addf %convert_element_type3A_11, %add3A_1305 : f32
    %mul3A_1307 = arith.constant 5.000000e+01 : f32
    %mul3A_1308 = arith.mulf %add3A_1306, %mul3A_1307 : f32
    %add3A_1309 = arith.constant 4.400000e+01 : f32
    %add3A_1310 = arith.addf %mul3A_1308, %add3A_1309 : f32
    %slice3A_1311 = vector.extract_strided_slice %dot_general3A_1268 {offsets = [0, 640], sizes = [128, 128], strides = [1, 1]} : vector<128x1280xf32> to vector<128x128xf32>
    %slice3A_1312 = vector.extract_strided_slice %dot_general3A_1270 {offsets = [0, 640], sizes = [128, 128], strides = [1, 1]} : vector<128x1280xf32> to vector<128x128xf32>
    %add3A_1313 = arith.constant 1.000000e+01 : f32
    %add3A_1314 = arith.addf %convert_element_type3A_11, %add3A_1313 : f32
    %mul3A_1315 = arith.constant 5.000000e+01 : f32
    %mul3A_1316 = arith.mulf %add3A_1314, %mul3A_1315 : f32
    %add3A_1317 = arith.constant 4.500000e+01 : f32
    %add3A_1318 = arith.addf %mul3A_1316, %add3A_1317 : f32
    %slice3A_1319 = vector.extract_strided_slice %dot_general3A_1268 {offsets = [0, 768], sizes = [128, 128], strides = [1, 1]} : vector<128x1280xf32> to vector<128x128xf32>
    %slice3A_1320 = vector.extract_strided_slice %dot_general3A_1270 {offsets = [0, 768], sizes = [128, 128], strides = [1, 1]} : vector<128x1280xf32> to vector<128x128xf32>
    %add3A_1321 = arith.constant 1.000000e+01 : f32
    %add3A_1322 = arith.addf %convert_element_type3A_11, %add3A_1321 : f32
    %mul3A_1323 = arith.constant 5.000000e+01 : f32
    %mul3A_1324 = arith.mulf %add3A_1322, %mul3A_1323 : f32
    %add3A_1325 = arith.constant 4.600000e+01 : f32
    %add3A_1326 = arith.addf %mul3A_1324, %add3A_1325 : f32
    %slice3A_1327 = vector.extract_strided_slice %dot_general3A_1268 {offsets = [0, 896], sizes = [128, 128], strides = [1, 1]} : vector<128x1280xf32> to vector<128x128xf32>
    %slice3A_1328 = vector.extract_strided_slice %dot_general3A_1270 {offsets = [0, 896], sizes = [128, 128], strides = [1, 1]} : vector<128x1280xf32> to vector<128x128xf32>
    %add3A_1329 = arith.constant 1.000000e+01 : f32
    %add3A_1330 = arith.addf %convert_element_type3A_11, %add3A_1329 : f32
    %mul3A_1331 = arith.constant 5.000000e+01 : f32
    %mul3A_1332 = arith.mulf %add3A_1330, %mul3A_1331 : f32
    %add3A_1333 = arith.constant 4.700000e+01 : f32
    %add3A_1334 = arith.addf %mul3A_1332, %add3A_1333 : f32
    %slice3A_1335 = vector.extract_strided_slice %dot_general3A_1268 {offsets = [0, 1024], sizes = [128, 128], strides = [1, 1]} : vector<128x1280xf32> to vector<128x128xf32>
    %slice3A_1336 = vector.extract_strided_slice %dot_general3A_1270 {offsets = [0, 1024], sizes = [128, 128], strides = [1, 1]} : vector<128x1280xf32> to vector<128x128xf32>
    %add3A_1337 = arith.constant 1.000000e+01 : f32
    %add3A_1338 = arith.addf %convert_element_type3A_11, %add3A_1337 : f32
    %mul3A_1339 = arith.constant 5.000000e+01 : f32
    %mul3A_1340 = arith.mulf %add3A_1338, %mul3A_1339 : f32
    %add3A_1341 = arith.constant 4.800000e+01 : f32
    %add3A_1342 = arith.addf %mul3A_1340, %add3A_1341 : f32
    %slice3A_1343 = vector.extract_strided_slice %dot_general3A_1268 {offsets = [0, 1152], sizes = [128, 128], strides = [1, 1]} : vector<128x1280xf32> to vector<128x128xf32>
    %slice3A_1344 = vector.extract_strided_slice %dot_general3A_1270 {offsets = [0, 1152], sizes = [128, 128], strides = [1, 1]} : vector<128x1280xf32> to vector<128x128xf32>
    %add3A_1345 = arith.constant 1.000000e+01 : f32
    %add3A_1346 = arith.addf %convert_element_type3A_11, %add3A_1345 : f32
    %mul3A_1347 = arith.constant 5.000000e+01 : f32
    %mul3A_1348 = arith.mulf %add3A_1346, %mul3A_1347 : f32
    %add3A_1349 = arith.constant 4.900000e+01 : f32
    %add3A_1350 = arith.addf %mul3A_1348, %add3A_1349 : f32
    %ge3A_1351 = arith.cmpf oge, %slice3A_1271, %slice3A_1279 : vector<128x128xf32>
    %select_n3A_1352 = arith.select %ge3A_1351, %slice3A_1271, %slice3A_1279 : vector<128x128xi1>, vector<128x128xf32>
    %select_n3A_1353 = arith.select %ge3A_1351, %slice3A_1272, %slice3A_1280 : vector<128x128xi1>, vector<128x128xf32>
    %broadcast_in_dim3A_1354 = vector.broadcast %add3A_1278 : f32 to vector<128x128xf32>
    %broadcast_in_dim3A_1355 = vector.broadcast %add3A_1286 : f32 to vector<128x128xf32>
    %select_n3A_1356 = arith.select %ge3A_1351, %broadcast_in_dim3A_1354, %broadcast_in_dim3A_1355 : vector<128x128xi1>, vector<128x128xf32>
    %ge3A_1357 = arith.cmpf oge, %slice3A_1287, %slice3A_1295 : vector<128x128xf32>
    %select_n3A_1358 = arith.select %ge3A_1357, %slice3A_1287, %slice3A_1295 : vector<128x128xi1>, vector<128x128xf32>
    %select_n3A_1359 = arith.select %ge3A_1357, %slice3A_1288, %slice3A_1296 : vector<128x128xi1>, vector<128x128xf32>
    %broadcast_in_dim3A_1360 = vector.broadcast %add3A_1294 : f32 to vector<128x128xf32>
    %broadcast_in_dim3A_1361 = vector.broadcast %add3A_1302 : f32 to vector<128x128xf32>
    %select_n3A_1362 = arith.select %ge3A_1357, %broadcast_in_dim3A_1360, %broadcast_in_dim3A_1361 : vector<128x128xi1>, vector<128x128xf32>
    %ge3A_1363 = arith.cmpf oge, %slice3A_1303, %slice3A_1311 : vector<128x128xf32>
    %select_n3A_1364 = arith.select %ge3A_1363, %slice3A_1303, %slice3A_1311 : vector<128x128xi1>, vector<128x128xf32>
    %select_n3A_1365 = arith.select %ge3A_1363, %slice3A_1304, %slice3A_1312 : vector<128x128xi1>, vector<128x128xf32>
    %broadcast_in_dim3A_1366 = vector.broadcast %add3A_1310 : f32 to vector<128x128xf32>
    %broadcast_in_dim3A_1367 = vector.broadcast %add3A_1318 : f32 to vector<128x128xf32>
    %select_n3A_1368 = arith.select %ge3A_1363, %broadcast_in_dim3A_1366, %broadcast_in_dim3A_1367 : vector<128x128xi1>, vector<128x128xf32>
    %ge3A_1369 = arith.cmpf oge, %slice3A_1319, %slice3A_1327 : vector<128x128xf32>
    %select_n3A_1370 = arith.select %ge3A_1369, %slice3A_1319, %slice3A_1327 : vector<128x128xi1>, vector<128x128xf32>
    %select_n3A_1371 = arith.select %ge3A_1369, %slice3A_1320, %slice3A_1328 : vector<128x128xi1>, vector<128x128xf32>
    %broadcast_in_dim3A_1372 = vector.broadcast %add3A_1326 : f32 to vector<128x128xf32>
    %broadcast_in_dim3A_1373 = vector.broadcast %add3A_1334 : f32 to vector<128x128xf32>
    %select_n3A_1374 = arith.select %ge3A_1369, %broadcast_in_dim3A_1372, %broadcast_in_dim3A_1373 : vector<128x128xi1>, vector<128x128xf32>
    %ge3A_1375 = arith.cmpf oge, %slice3A_1335, %slice3A_1343 : vector<128x128xf32>
    %select_n3A_1376 = arith.select %ge3A_1375, %slice3A_1335, %slice3A_1343 : vector<128x128xi1>, vector<128x128xf32>
    %select_n3A_1377 = arith.select %ge3A_1375, %slice3A_1336, %slice3A_1344 : vector<128x128xi1>, vector<128x128xf32>
    %broadcast_in_dim3A_1378 = vector.broadcast %add3A_1342 : f32 to vector<128x128xf32>
    %broadcast_in_dim3A_1379 = vector.broadcast %add3A_1350 : f32 to vector<128x128xf32>
    %select_n3A_1380 = arith.select %ge3A_1375, %broadcast_in_dim3A_1378, %broadcast_in_dim3A_1379 : vector<128x128xi1>, vector<128x128xf32>
    %ge3A_1381 = arith.cmpf oge, %select_n3A_1352, %select_n3A_1358 : vector<128x128xf32>
    %select_n3A_1382 = arith.select %ge3A_1381, %select_n3A_1352, %select_n3A_1358 : vector<128x128xi1>, vector<128x128xf32>
    %select_n3A_1383 = arith.select %ge3A_1381, %select_n3A_1353, %select_n3A_1359 : vector<128x128xi1>, vector<128x128xf32>
    %select_n3A_1384 = arith.select %ge3A_1381, %select_n3A_1356, %select_n3A_1362 : vector<128x128xi1>, vector<128x128xf32>
    %ge3A_1385 = arith.cmpf oge, %select_n3A_1364, %select_n3A_1370 : vector<128x128xf32>
    %select_n3A_1386 = arith.select %ge3A_1385, %select_n3A_1364, %select_n3A_1370 : vector<128x128xi1>, vector<128x128xf32>
    %select_n3A_1387 = arith.select %ge3A_1385, %select_n3A_1365, %select_n3A_1371 : vector<128x128xi1>, vector<128x128xf32>
    %select_n3A_1388 = arith.select %ge3A_1385, %select_n3A_1368, %select_n3A_1374 : vector<128x128xi1>, vector<128x128xf32>
    %ge3A_1389 = arith.cmpf oge, %select_n3A_1382, %select_n3A_1386 : vector<128x128xf32>
    %select_n3A_1390 = arith.select %ge3A_1389, %select_n3A_1382, %select_n3A_1386 : vector<128x128xi1>, vector<128x128xf32>
    %select_n3A_1391 = arith.select %ge3A_1389, %select_n3A_1383, %select_n3A_1387 : vector<128x128xi1>, vector<128x128xf32>
    %select_n3A_1392 = arith.select %ge3A_1389, %select_n3A_1384, %select_n3A_1388 : vector<128x128xi1>, vector<128x128xf32>
    %ge3A_1393 = arith.cmpf oge, %select_n3A_1390, %select_n3A_1376 : vector<128x128xf32>
    %select_n3A_1394 = arith.select %ge3A_1393, %select_n3A_1390, %select_n3A_1376 : vector<128x128xi1>, vector<128x128xf32>
    %select_n3A_1395 = arith.select %ge3A_1393, %select_n3A_1391, %select_n3A_1377 : vector<128x128xi1>, vector<128x128xf32>
    %select_n3A_1396 = arith.select %ge3A_1393, %select_n3A_1392, %select_n3A_1380 : vector<128x128xi1>, vector<128x128xf32>
    %gt3A_1397 = arith.cmpf ogt, %select_n3A_1394, %select_n3A_1260 : vector<128x128xf32>
    %select_n3A_1398 = arith.select %gt3A_1397, %select_n3A_1394, %select_n3A_1260 : vector<128x128xi1>, vector<128x128xf32>
    %select_n3A_1399 = arith.select %gt3A_1397, %select_n3A_1395, %select_n3A_1261 : vector<128x128xi1>, vector<128x128xf32>
    %select_n3A_1400 = arith.select %gt3A_1397, %select_n3A_1396, %select_n3A_1262 : vector<128x128xi1>, vector<128x128xf32>
    %swap3A = arith.constant 0 : index
    %swap3A_1401 = arith.constant 0 : index
    %swap3A_1402 = vector.load %arg29[%swap3A, %swap3A_1401] : memref<128x128xf32, #tpu.memory_space<vmem>>, vector<128x128xf32>
    tpu.vector_store %arg29[%swap3A, %swap3A_1401], %select_n3A_1398 {strides = array<i32>} : memref<128x128xf32, #tpu.memory_space<vmem>>, vector<128x128xf32>,
    %swap3A_1403 = arith.constant 0 : index
    %swap3A_1404 = arith.constant 0 : index
    %swap3A_1405 = vector.load %arg30[%swap3A_1403, %swap3A_1404] : memref<128x128xf32, #tpu.memory_space<vmem>>, vector<128x128xf32>
    tpu.vector_store %arg30[%swap3A_1403, %swap3A_1404], %select_n3A_1399 {strides = array<i32>} : memref<128x128xf32, #tpu.memory_space<vmem>>, vector<128x128xf32>,
    %swap3A_1406 = arith.constant 0 : index
    %swap3A_1407 = arith.constant 0 : index
    %swap3A_1408 = vector.load %arg31[%swap3A_1406, %swap3A_1407] : memref<128x128xf32, #tpu.memory_space<vmem>>, vector<128x128xf32>
    tpu.vector_store %arg31[%swap3A_1406, %swap3A_1407], %select_n3A_1400 {strides = array<i32>} : memref<128x128xf32, #tpu.memory_space<vmem>>, vector<128x128xf32>,
    %eq3A_1409 = arith.constant 9 : i32
    %eq3A_1410 = arith.cmpi eq, %arg0, %eq3A_1409 : i32
    %convert_element_type3A_1411 = arith.extui %eq3A_1410 : i1 to i32
    %cond3A_1412 = arith.constant 0 : i32
    %cond3A_1413 = arith.cmpi ne, %convert_element_type3A_1411, %cond3A_1412 : i32
    scf.if %cond3A_1413 {
      %get3A_1414 = arith.constant 0 : index
      %get3A_1415 = arith.constant 0 : index
      %get3A_1416 = vector.load %arg29[%get3A_1414, %get3A_1415] : memref<128x128xf32, #tpu.memory_space<vmem>>, vector<128x128xf32>
      %get3A_1417 = arith.constant 0 : index
      %get3A_1418 = arith.constant 0 : index
      %get3A_1419 = vector.load %arg30[%get3A_1417, %get3A_1418] : memref<128x128xf32, #tpu.memory_space<vmem>>, vector<128x128xf32>
      %iota3A = tpu.iota {dimensions = array<i32: 1>} : vector<128x128xi32>
      %convert_element_type3A_1420 = arith.sitofp %iota3A : vector<128x128xi32> to vector<128x128xf32>
      %get3A_1421 = arith.constant 0 : index
      %get3A_1422 = arith.constant 0 : index
      %get3A_1423 = vector.load %arg31[%get3A_1421, %get3A_1422] : memref<128x128xf32, #tpu.memory_space<vmem>>, vector<128x128xf32>
      %mul3A_1424 = arith.constant 1.280000e+02 : f32
      %mul3A_1425 = vector.broadcast %mul3A_1424 : f32 to vector<128x128xf32>
      %mul3A_1426 = arith.mulf %get3A_1423, %mul3A_1425 : vector<128x128xf32>
      %add3A_1427 = arith.addf %mul3A_1426, %convert_element_type3A_1420 : vector<128x128xf32>
      %broadcast_in_dim3A_1428 = arith.constant 0.000000e+00 : f32
      %broadcast_in_dim3A_1429 = vector.broadcast %broadcast_in_dim3A_1428 : f32 to vector<128x1xf32>
      %reduce_max3A = arith.constant dense<0xFF800000> : vector<128xf32>
      %reduce_max3A_1430 = vector.multi_reduction <maximumf>, %get3A_1416, %reduce_max3A [1] : vector<128x128xf32> to vector<128xf32>
      %broadcast_in_dim3A_1431 = vector.shape_cast %reduce_max3A_1430 : vector<128xf32> to vector<128x1xf32>
      %eq3A_1432 = vector.broadcast %broadcast_in_dim3A_1431 : vector<128x1xf32> to vector<128x128xf32>
      %eq3A_1433 = arith.cmpf oeq, %get3A_1416, %eq3A_1432 : vector<128x128xf32>
      %jit3A = arith.constant 1.000000e+09 : f32
      %broadcast_in_dim3A_1434 = vector.broadcast %jit3A : f32 to vector<128x128xf32>
      %select_n3A_1435 = arith.select %eq3A_1433, %convert_element_type3A_1420, %broadcast_in_dim3A_1434 : vector<128x128xi1>, vector<128x128xf32>
      %reduce_min3A = arith.constant dense<0x7F800000> : vector<128xf32>
      %reduce_min3A_1436 = vector.multi_reduction <minimumf>, %select_n3A_1435, %reduce_min3A [1] : vector<128x128xf32> to vector<128xf32>
      %broadcast_in_dim3A_1437 = vector.shape_cast %reduce_min3A_1436 : vector<128xf32> to vector<128x1xf32>
      %eq3A_1438 = vector.broadcast %broadcast_in_dim3A_1437 : vector<128x1xf32> to vector<128x128xf32>
      %eq3A_1439 = arith.cmpf oeq, %convert_element_type3A_1420, %eq3A_1438 : vector<128x128xf32>
      %jit3A_1440 = arith.constant 0.000000e+00 : f32
      %broadcast_in_dim3A_1441 = vector.broadcast %jit3A_1440 : f32 to vector<128x128xf32>
      %select_n3A_1442 = arith.select %eq3A_1439, %get3A_1419, %broadcast_in_dim3A_1441 : vector<128x128xi1>, vector<128x128xf32>
      %reduce_sum3A = arith.constant dense<0.000000e+00> : vector<128xf32>
      %reduce_sum3A_1443 = vector.multi_reduction <add>, %select_n3A_1442, %reduce_sum3A [1] : vector<128x128xf32> to vector<128xf32>
      %broadcast_in_dim3A_1444 = vector.shape_cast %reduce_sum3A_1443 : vector<128xf32> to vector<128x1xf32>
      %jit3A_1445 = arith.constant 0.000000e+00 : f32
      %broadcast_in_dim3A_1446 = vector.broadcast %jit3A_1445 : f32 to vector<128x128xf32>
      %select_n3A_1447 = arith.select %eq3A_1439, %add3A_1427, %broadcast_in_dim3A_1446 : vector<128x128xi1>, vector<128x128xf32>
      %reduce_sum3A_1448 = arith.constant dense<0.000000e+00> : vector<128xf32>
      %reduce_sum3A_1449 = vector.multi_reduction <add>, %select_n3A_1447, %reduce_sum3A_1448 [1] : vector<128x128xf32> to vector<128xf32>
      %broadcast_in_dim3A_1450 = vector.shape_cast %reduce_sum3A_1449 : vector<128xf32> to vector<128x1xf32>
      %jit3A_1451 = arith.constant 0xFF800000 : f32
      %broadcast_in_dim3A_1452 = vector.broadcast %jit3A_1451 : f32 to vector<128x128xf32>
      %select_n3A_1453 = arith.select %eq3A_1439, %broadcast_in_dim3A_1452, %get3A_1416 : vector<128x128xi1>, vector<128x128xf32>
      %add3A_1454 = arith.addf %broadcast_in_dim3A_1429, %broadcast_in_dim3A_1444 : vector<128x1xf32>
      %reduce_max3A_1455 = arith.constant dense<0xFF800000> : vector<128xf32>
      %reduce_max3A_1456 = vector.multi_reduction <maximumf>, %select_n3A_1453, %reduce_max3A_1455 [1] : vector<128x128xf32> to vector<128xf32>
      %broadcast_in_dim3A_1457 = vector.shape_cast %reduce_max3A_1456 : vector<128xf32> to vector<128x1xf32>
      %eq3A_1458 = vector.broadcast %broadcast_in_dim3A_1457 : vector<128x1xf32> to vector<128x128xf32>
      %eq3A_1459 = arith.cmpf oeq, %select_n3A_1453, %eq3A_1458 : vector<128x128xf32>
      %jit3A_1460 = arith.constant 1.000000e+09 : f32
      %broadcast_in_dim3A_1461 = vector.broadcast %jit3A_1460 : f32 to vector<128x128xf32>
      %select_n3A_1462 = arith.select %eq3A_1459, %convert_element_type3A_1420, %broadcast_in_dim3A_1461 : vector<128x128xi1>, vector<128x128xf32>
      %reduce_min3A_1463 = arith.constant dense<0x7F800000> : vector<128xf32>
      %reduce_min3A_1464 = vector.multi_reduction <minimumf>, %select_n3A_1462, %reduce_min3A_1463 [1] : vector<128x128xf32> to vector<128xf32>
      %broadcast_in_dim3A_1465 = vector.shape_cast %reduce_min3A_1464 : vector<128xf32> to vector<128x1xf32>
      %eq3A_1466 = vector.broadcast %broadcast_in_dim3A_1465 : vector<128x1xf32> to vector<128x128xf32>
      %eq3A_1467 = arith.cmpf oeq, %convert_element_type3A_1420, %eq3A_1466 : vector<128x128xf32>
      %jit3A_1468 = arith.constant 0.000000e+00 : f32
      %broadcast_in_dim3A_1469 = vector.broadcast %jit3A_1468 : f32 to vector<128x128xf32>
      %select_n3A_1470 = arith.select %eq3A_1467, %get3A_1419, %broadcast_in_dim3A_1469 : vector<128x128xi1>, vector<128x128xf32>
      %reduce_sum3A_1471 = arith.constant dense<0.000000e+00> : vector<128xf32>
      %reduce_sum3A_1472 = vector.multi_reduction <add>, %select_n3A_1470, %reduce_sum3A_1471 [1] : vector<128x128xf32> to vector<128xf32>
      %broadcast_in_dim3A_1473 = vector.shape_cast %reduce_sum3A_1472 : vector<128xf32> to vector<128x1xf32>
      %jit3A_1474 = arith.constant 0.000000e+00 : f32
      %broadcast_in_dim3A_1475 = vector.broadcast %jit3A_1474 : f32 to vector<128x128xf32>
      %select_n3A_1476 = arith.select %eq3A_1467, %add3A_1427, %broadcast_in_dim3A_1475 : vector<128x128xi1>, vector<128x128xf32>
      %reduce_sum3A_1477 = arith.constant dense<0.000000e+00> : vector<128xf32>
      %reduce_sum3A_1478 = vector.multi_reduction <add>, %select_n3A_1476, %reduce_sum3A_1477 [1] : vector<128x128xf32> to vector<128xf32>
      %broadcast_in_dim3A_1479 = vector.shape_cast %reduce_sum3A_1478 : vector<128xf32> to vector<128x1xf32>
      %jit3A_1480 = arith.constant 0xFF800000 : f32
      %broadcast_in_dim3A_1481 = vector.broadcast %jit3A_1480 : f32 to vector<128x128xf32>
      %select_n3A_1482 = arith.select %eq3A_1467, %broadcast_in_dim3A_1481, %select_n3A_1453 : vector<128x128xi1>, vector<128x128xf32>
      %add3A_1483 = arith.addf %add3A_1454, %broadcast_in_dim3A_1473 : vector<128x1xf32>
      %reduce_max3A_1484 = arith.constant dense<0xFF800000> : vector<128xf32>
      %reduce_max3A_1485 = vector.multi_reduction <maximumf>, %select_n3A_1482, %reduce_max3A_1484 [1] : vector<128x128xf32> to vector<128xf32>
      %broadcast_in_dim3A_1486 = vector.shape_cast %reduce_max3A_1485 : vector<128xf32> to vector<128x1xf32>
      %eq3A_1487 = vector.broadcast %broadcast_in_dim3A_1486 : vector<128x1xf32> to vector<128x128xf32>
      %eq3A_1488 = arith.cmpf oeq, %select_n3A_1482, %eq3A_1487 : vector<128x128xf32>
      %jit3A_1489 = arith.constant 1.000000e+09 : f32
      %broadcast_in_dim3A_1490 = vector.broadcast %jit3A_1489 : f32 to vector<128x128xf32>
      %select_n3A_1491 = arith.select %eq3A_1488, %convert_element_type3A_1420, %broadcast_in_dim3A_1490 : vector<128x128xi1>, vector<128x128xf32>
      %reduce_min3A_1492 = arith.constant dense<0x7F800000> : vector<128xf32>
      %reduce_min3A_1493 = vector.multi_reduction <minimumf>, %select_n3A_1491, %reduce_min3A_1492 [1] : vector<128x128xf32> to vector<128xf32>
      %broadcast_in_dim3A_1494 = vector.shape_cast %reduce_min3A_1493 : vector<128xf32> to vector<128x1xf32>
      %eq3A_1495 = vector.broadcast %broadcast_in_dim3A_1494 : vector<128x1xf32> to vector<128x128xf32>
      %eq3A_1496 = arith.cmpf oeq, %convert_element_type3A_1420, %eq3A_1495 : vector<128x128xf32>
      %jit3A_1497 = arith.constant 0.000000e+00 : f32
      %broadcast_in_dim3A_1498 = vector.broadcast %jit3A_1497 : f32 to vector<128x128xf32>
      %select_n3A_1499 = arith.select %eq3A_1496, %get3A_1419, %broadcast_in_dim3A_1498 : vector<128x128xi1>, vector<128x128xf32>
      %reduce_sum3A_1500 = arith.constant dense<0.000000e+00> : vector<128xf32>
      %reduce_sum3A_1501 = vector.multi_reduction <add>, %select_n3A_1499, %reduce_sum3A_1500 [1] : vector<128x128xf32> to vector<128xf32>
      %broadcast_in_dim3A_1502 = vector.shape_cast %reduce_sum3A_1501 : vector<128xf32> to vector<128x1xf32>
      %jit3A_1503 = arith.constant 0.000000e+00 : f32
      %broadcast_in_dim3A_1504 = vector.broadcast %jit3A_1503 : f32 to vector<128x128xf32>
      %select_n3A_1505 = arith.select %eq3A_1496, %add3A_1427, %broadcast_in_dim3A_1504 : vector<128x128xi1>, vector<128x128xf32>
      %reduce_sum3A_1506 = arith.constant dense<0.000000e+00> : vector<128xf32>
      %reduce_sum3A_1507 = vector.multi_reduction <add>, %select_n3A_1505, %reduce_sum3A_1506 [1] : vector<128x128xf32> to vector<128xf32>
      %broadcast_in_dim3A_1508 = vector.shape_cast %reduce_sum3A_1507 : vector<128xf32> to vector<128x1xf32>
      %jit3A_1509 = arith.constant 0xFF800000 : f32
      %broadcast_in_dim3A_1510 = vector.broadcast %jit3A_1509 : f32 to vector<128x128xf32>
      %select_n3A_1511 = arith.select %eq3A_1496, %broadcast_in_dim3A_1510, %select_n3A_1482 : vector<128x128xi1>, vector<128x128xf32>
      %add3A_1512 = arith.addf %add3A_1483, %broadcast_in_dim3A_1502 : vector<128x1xf32>
      %reduce_max3A_1513 = arith.constant dense<0xFF800000> : vector<128xf32>
      %reduce_max3A_1514 = vector.multi_reduction <maximumf>, %select_n3A_1511, %reduce_max3A_1513 [1] : vector<128x128xf32> to vector<128xf32>
      %broadcast_in_dim3A_1515 = vector.shape_cast %reduce_max3A_1514 : vector<128xf32> to vector<128x1xf32>
      %eq3A_1516 = vector.broadcast %broadcast_in_dim3A_1515 : vector<128x1xf32> to vector<128x128xf32>
      %eq3A_1517 = arith.cmpf oeq, %select_n3A_1511, %eq3A_1516 : vector<128x128xf32>
      %jit3A_1518 = arith.constant 1.000000e+09 : f32
      %broadcast_in_dim3A_1519 = vector.broadcast %jit3A_1518 : f32 to vector<128x128xf32>
      %select_n3A_1520 = arith.select %eq3A_1517, %convert_element_type3A_1420, %broadcast_in_dim3A_1519 : vector<128x128xi1>, vector<128x128xf32>
      %reduce_min3A_1521 = arith.constant dense<0x7F800000> : vector<128xf32>
      %reduce_min3A_1522 = vector.multi_reduction <minimumf>, %select_n3A_1520, %reduce_min3A_1521 [1] : vector<128x128xf32> to vector<128xf32>
      %broadcast_in_dim3A_1523 = vector.shape_cast %reduce_min3A_1522 : vector<128xf32> to vector<128x1xf32>
      %eq3A_1524 = vector.broadcast %broadcast_in_dim3A_1523 : vector<128x1xf32> to vector<128x128xf32>
      %eq3A_1525 = arith.cmpf oeq, %convert_element_type3A_1420, %eq3A_1524 : vector<128x128xf32>
      %jit3A_1526 = arith.constant 0.000000e+00 : f32
      %broadcast_in_dim3A_1527 = vector.broadcast %jit3A_1526 : f32 to vector<128x128xf32>
      %select_n3A_1528 = arith.select %eq3A_1525, %get3A_1419, %broadcast_in_dim3A_1527 : vector<128x128xi1>, vector<128x128xf32>
      %reduce_sum3A_1529 = arith.constant dense<0.000000e+00> : vector<128xf32>
      %reduce_sum3A_1530 = vector.multi_reduction <add>, %select_n3A_1528, %reduce_sum3A_1529 [1] : vector<128x128xf32> to vector<128xf32>
      %broadcast_in_dim3A_1531 = vector.shape_cast %reduce_sum3A_1530 : vector<128xf32> to vector<128x1xf32>
      %jit3A_1532 = arith.constant 0.000000e+00 : f32
      %broadcast_in_dim3A_1533 = vector.broadcast %jit3A_1532 : f32 to vector<128x128xf32>
      %select_n3A_1534 = arith.select %eq3A_1525, %add3A_1427, %broadcast_in_dim3A_1533 : vector<128x128xi1>, vector<128x128xf32>
      %reduce_sum3A_1535 = arith.constant dense<0.000000e+00> : vector<128xf32>
      %reduce_sum3A_1536 = vector.multi_reduction <add>, %select_n3A_1534, %reduce_sum3A_1535 [1] : vector<128x128xf32> to vector<128xf32>
      %broadcast_in_dim3A_1537 = vector.shape_cast %reduce_sum3A_1536 : vector<128xf32> to vector<128x1xf32>
      %jit3A_1538 = arith.constant 0xFF800000 : f32
      %broadcast_in_dim3A_1539 = vector.broadcast %jit3A_1538 : f32 to vector<128x128xf32>
      %select_n3A_1540 = arith.select %eq3A_1525, %broadcast_in_dim3A_1539, %select_n3A_1511 : vector<128x128xi1>, vector<128x128xf32>
      %add3A_1541 = arith.addf %add3A_1512, %broadcast_in_dim3A_1531 : vector<128x1xf32>
      %reduce_max3A_1542 = arith.constant dense<0xFF800000> : vector<128xf32>
      %reduce_max3A_1543 = vector.multi_reduction <maximumf>, %select_n3A_1540, %reduce_max3A_1542 [1] : vector<128x128xf32> to vector<128xf32>
      %broadcast_in_dim3A_1544 = vector.shape_cast %reduce_max3A_1543 : vector<128xf32> to vector<128x1xf32>
      %eq3A_1545 = vector.broadcast %broadcast_in_dim3A_1544 : vector<128x1xf32> to vector<128x128xf32>
      %eq3A_1546 = arith.cmpf oeq, %select_n3A_1540, %eq3A_1545 : vector<128x128xf32>
      %jit3A_1547 = arith.constant 1.000000e+09 : f32
      %broadcast_in_dim3A_1548 = vector.broadcast %jit3A_1547 : f32 to vector<128x128xf32>
      %select_n3A_1549 = arith.select %eq3A_1546, %convert_element_type3A_1420, %broadcast_in_dim3A_1548 : vector<128x128xi1>, vector<128x128xf32>
      %reduce_min3A_1550 = arith.constant dense<0x7F800000> : vector<128xf32>
      %reduce_min3A_1551 = vector.multi_reduction <minimumf>, %select_n3A_1549, %reduce_min3A_1550 [1] : vector<128x128xf32> to vector<128xf32>
      %broadcast_in_dim3A_1552 = vector.shape_cast %reduce_min3A_1551 : vector<128xf32> to vector<128x1xf32>
      %eq3A_1553 = vector.broadcast %broadcast_in_dim3A_1552 : vector<128x1xf32> to vector<128x128xf32>
      %eq3A_1554 = arith.cmpf oeq, %convert_element_type3A_1420, %eq3A_1553 : vector<128x128xf32>
      %jit3A_1555 = arith.constant 0.000000e+00 : f32
      %broadcast_in_dim3A_1556 = vector.broadcast %jit3A_1555 : f32 to vector<128x128xf32>
      %select_n3A_1557 = arith.select %eq3A_1554, %get3A_1419, %broadcast_in_dim3A_1556 : vector<128x128xi1>, vector<128x128xf32>
      %reduce_sum3A_1558 = arith.constant dense<0.000000e+00> : vector<128xf32>
      %reduce_sum3A_1559 = vector.multi_reduction <add>, %select_n3A_1557, %reduce_sum3A_1558 [1] : vector<128x128xf32> to vector<128xf32>
      %broadcast_in_dim3A_1560 = vector.shape_cast %reduce_sum3A_1559 : vector<128xf32> to vector<128x1xf32>
      %jit3A_1561 = arith.constant 0.000000e+00 : f32
      %broadcast_in_dim3A_1562 = vector.broadcast %jit3A_1561 : f32 to vector<128x128xf32>
      %select_n3A_1563 = arith.select %eq3A_1554, %add3A_1427, %broadcast_in_dim3A_1562 : vector<128x128xi1>, vector<128x128xf32>
      %reduce_sum3A_1564 = arith.constant dense<0.000000e+00> : vector<128xf32>
      %reduce_sum3A_1565 = vector.multi_reduction <add>, %select_n3A_1563, %reduce_sum3A_1564 [1] : vector<128x128xf32> to vector<128xf32>
      %broadcast_in_dim3A_1566 = vector.shape_cast %reduce_sum3A_1565 : vector<128xf32> to vector<128x1xf32>
      %add3A_1567 = arith.addf %add3A_1541, %broadcast_in_dim3A_1560 : vector<128x1xf32>
      %reduce_sum3A_1568 = arith.constant dense<0.000000e+00> : vector<1xf32>
      %reduce_sum3A_1569 = vector.multi_reduction <add>, %add3A_1567, %reduce_sum3A_1568 [0] : vector<128x1xf32> to vector<1xf32>
      %broadcast_in_dim3A_1570 = vector.shape_cast %reduce_sum3A_1569 : vector<1xf32> to vector<1x1xf32>
      %mul3A_1571 = arith.constant 2.000000e+00 : f32
      %mul3A_1572 = vector.broadcast %mul3A_1571 : f32 to vector<1x1xf32>
      %mul3A_1573 = arith.mulf %mul3A_1572, %broadcast_in_dim3A_1570 : vector<1x1xf32>
      %div3A = arith.constant 6.400000e+02 : f32
      %div3A_1574 = vector.broadcast %div3A : f32 to vector<1x1xf32>
      %div3A_1575 = arith.divf %mul3A_1573, %div3A_1574 : vector<1x1xf32>
      %sub3A = arith.constant 2.000000e+00 : f32
      %sub3A_1576 = vector.broadcast %sub3A : f32 to vector<1x1xf32>
      %sub3A_1577 = arith.subf %sub3A_1576, %div3A_1575 : vector<1x1xf32>
      %swap3A_1578 = arith.constant 0 : index
      %swap3A_1579 = arith.constant 0 : index
      %swap3A_1580 = vector.load %arg23[%swap3A_1578, %swap3A_1579] : memref<1x1xf32, #tpu.memory_space<vmem>>, vector<1x1xf32>
      tpu.vector_store %arg23[%swap3A_1578, %swap3A_1579], %sub3A_1577 {strides = array<i32>} : memref<1x1xf32, #tpu.memory_space<vmem>>, vector<1x1xf32>,
      %broadcast_in_dim3A_1581 = arith.constant 0.000000e+00 : f32
      %broadcast_in_dim3A_1582 = vector.broadcast %broadcast_in_dim3A_1581 : f32 to vector<128x1xf32>
      %concatenate3A = tpu.concatenate %broadcast_in_dim3A_1450, %broadcast_in_dim3A_1479, %broadcast_in_dim3A_1508, %broadcast_in_dim3A_1537, %broadcast_in_dim3A_1566, %broadcast_in_dim3A_1582, %broadcast_in_dim3A_1582, %broadcast_in_dim3A_1582 in 1 : vector<128x1xf32>, vector<128x1xf32>, vector<128x1xf32>, vector<128x1xf32>, vector<128x1xf32>, vector<128x1xf32>, vector<128x1xf32>, vector<128x1xf32> -> vector<128x8xf32>
      %swap3A_1583 = arith.constant 0 : index
      %swap3A_1584 = arith.constant 0 : index
      %swap3A_1585 = vector.load %arg24[%swap3A_1583, %swap3A_1584] : memref<128x8xf32, #tpu.memory_space<vmem>>, vector<128x8xf32>
      tpu.vector_store %arg24[%swap3A_1583, %swap3A_1584], %concatenate3A {strides = array<i32>} : memref<128x8xf32, #tpu.memory_space<vmem>>, vector<128x8xf32>,
    } else {
    }
    return
  }
  func.func @transform_0(%arg0: i32) -> (i32, i32) {
    %c0_i32 = arith.constant 0 : i32
    %c0_i32_0 = arith.constant 0 : i32
    %c0_i32_1 = arith.constant 0 : i32
    return %c0_i32, %c0_i32_0 : i32, i32
  }
  func.func @transform_1(%arg0: i32) -> (i32, i32) {
    %c0_i32 = arith.constant 0 : i32
    %c0_i32_0 = arith.constant 0 : i32
    %c0_i32_1 = arith.constant 0 : i32
    return %c0_i32, %c0_i32_0 : i32, i32
  }
  func.func @transform_2(%arg0: i32) -> (i32, i32) {
    %c0_i32 = arith.constant 0 : i32
    %c0_i32_0 = arith.constant 0 : i32
    %c0_i32_1 = arith.constant 0 : i32
    return %c0_i32, %c0_i32_0 : i32, i32
  }
  func.func @transform_3(%arg0: i32) -> (i32, i32) {
    %c0_i32 = arith.constant 0 : i32
    %c0_i32_0 = arith.constant 0 : i32
    %c0_i32_1 = arith.constant 0 : i32
    return %c0_i32, %c0_i32_0 : i32, i32
  }
  func.func @transform_4(%arg0: i32) -> (i32, i32) {
    %c0_i32 = arith.constant 0 : i32
    %c0_i32_0 = arith.constant 0 : i32
    %c0_i32_1 = arith.constant 0 : i32
    return %c0_i32, %c0_i32_0 : i32, i32
  }
  func.func @transform_5(%arg0: i32) -> (i32, i32) {
    %c0_i32 = arith.constant 0 : i32
    %c0_i32_0 = arith.constant 0 : i32
    %c0_i32_1 = arith.constant 0 : i32
    return %c0_i32, %c0_i32_0 : i32, i32
  }
  func.func @transform_6(%arg0: i32) -> (i32, i32) {
    %c0_i32 = arith.constant 0 : i32
    %c0_i32_0 = arith.constant 0 : i32
    %c0_i32_1 = arith.constant 0 : i32
    return %c0_i32, %c0_i32_0 : i32, i32
  }
  func.func @transform_7(%arg0: i32) -> (i32, i32) {
    %c0_i32 = arith.constant 0 : i32
    %c0_i32_0 = arith.constant 0 : i32
    %c0_i32_1 = arith.constant 0 : i32
    return %c0_i32, %c0_i32_0 : i32, i32
  }
  func.func @transform_8(%arg0: i32) -> (i32, i32) {
    %c0_i32 = arith.constant 0 : i32
    %c0_i32_0 = arith.constant 0 : i32
    %c0_i32_1 = arith.constant 0 : i32
    return %c0_i32, %c0_i32_0 : i32, i32
  }
  func.func @transform_9(%arg0: i32) -> (i32, i32) {
    %c0_i32 = arith.constant 0 : i32
    %c0_i32_0 = arith.constant 0 : i32
    %c0_i32_1 = arith.constant 0 : i32
    return %c0_i32, %c0_i32_0 : i32, i32
  }
  func.func @transform_10(%arg0: i32) -> (i32, i32) {
    %c0_i32 = arith.constant 0 : i32
    %c0_i32_0 = arith.constant 0 : i32
    %c0_i32_1 = arith.constant 0 : i32
    return %c0_i32, %c0_i32_0 : i32, i32
  }
  func.func @transform_11(%arg0: i32) -> (i32, i32) {
    %c0_i32 = arith.constant 0 : i32
    %c0_i32_0 = arith.constant 0 : i32
    %c0_i32_1 = arith.constant 0 : i32
    return %c0_i32, %c0_i32_0 : i32, i32
  }
  func.func @transform_12(%arg0: i32) -> (i32, i32) {
    %c0_i32 = arith.constant 0 : i32
    %c0_i32_0 = arith.constant 0 : i32
    %c0_i32_1 = arith.constant 0 : i32
    return %c0_i32, %c0_i32_0 : i32, i32
  }
  func.func @transform_13(%arg0: i32) -> (i32, i32) {
    %c0_i32 = arith.constant 0 : i32
    %c0_i32_0 = arith.constant 0 : i32
    %c0_i32_1 = arith.constant 0 : i32
    return %c0_i32, %c0_i32_0 : i32, i32
  }
  func.func @transform_14(%arg0: i32) -> (i32, i32) {
    %c0_i32 = arith.constant 0 : i32
    %c0_i32_0 = arith.constant 0 : i32
    %c0_i32_1 = arith.constant 0 : i32
    return %c0_i32, %c0_i32_0 : i32, i32
  }
  func.func @transform_15(%arg0: i32) -> (i32, i32) {
    %c0_i32 = arith.constant 0 : i32
    %c0_i32_0 = arith.constant 0 : i32
    %c0_i32_1 = arith.constant 0 : i32
    return %c0_i32, %c0_i32_0 : i32, i32
  }
  func.func @transform_16(%arg0: i32) -> (i32, i32) {
    %c0_i32 = arith.constant 0 : i32
    %c0_i32_0 = arith.constant 0 : i32
    %c0_i32_1 = arith.constant 0 : i32
    return %c0_i32, %c0_i32_0 : i32, i32
  }
  func.func @transform_17(%arg0: i32) -> (i32, i32) {
    %c0_i32 = arith.constant 0 : i32
    %c0_i32_0 = arith.constant 0 : i32
    %c0_i32_1 = arith.constant 0 : i32
    return %c0_i32, %c0_i32_0 : i32, i32
  }
  func.func @transform_18(%arg0: i32) -> (i32, i32) {
    %c0_i32 = arith.constant 0 : i32
    %c0_i32_0 = arith.constant 0 : i32
    %c0_i32_1 = arith.constant 0 : i32
    return %c0_i32, %c0_i32_0 : i32, i32
  }
  func.func @transform_19(%arg0: i32) -> (i32, i32) {
    %c0_i32 = arith.constant 0 : i32
    %c0_i32_0 = arith.constant 0 : i32
    %c0_i32_1 = arith.constant 0 : i32
    return %c0_i32, %c0_i32_0 : i32, i32
  }
  func.func @transform_20(%arg0: i32) -> (i32, i32) {
    %c0_i32 = arith.constant 0 : i32
    %c0_i32_0 = arith.constant 0 : i32
    return %arg0, %c0_i32 : i32, i32
  }
  func.func @transform_21(%arg0: i32) -> (i32, i32) {
    %add3A = arith.constant 10 : i32
    %add3A_0 = arith.addi %arg0, %add3A : i32
    %c0_i32 = arith.constant 0 : i32
    %c0_i32_1 = arith.constant 0 : i32
    return %add3A_0, %c0_i32 : i32, i32
  }
  func.func @transform_22(%arg0: i32) -> (i32, i32) {
    %c0_i32 = arith.constant 0 : i32
    %c0_i32_0 = arith.constant 0 : i32
    %c0_i32_1 = arith.constant 0 : i32
    return %c0_i32, %c0_i32_0 : i32, i32
  }
  func.func @transform_23(%arg0: i32) -> (i32, i32) {
    %c0_i32 = arith.constant 0 : i32
    %c0_i32_0 = arith.constant 0 : i32
    %c0_i32_1 = arith.constant 0 : i32
    return %c0_i32, %c0_i32_0 : i32, i32
  }
}

</mosaic_0001>

<sc_bundles>
// kernel: kernel.5.cloned.1.call-start
scs
__scs_entry_jumppad:
0x0: {  	(pc) =	sbr.rel $0x88, $3  }
0x1: {  	(tag) =	ssettag $0x0;
	lr =	simm.s32 $0x1  }
0x2: {  	[smem:$0x3F8A] =	sst lr;
	_ =	strace $0xD0000000  }
0x3: {  	_ = 	snop  }
0x4: {  	_ = 	snop  }
0x5: {  	_ = 	snop  }
0x6: {  	_ = 	snop  }
0x7: {  	_ = 	snop  }
__scs_overlays_trampoline_lowered:
0x8: {  	[smem:$0x3F99] =	sst s0  }
0x9: {  	[smem:$0x3F9A] =	sst s1  }
0xa: {  	[smem:$0x3F9B] =	sst s2  }
0xb: {  	[smem:$0x3F9C] =	sst s3  }
0xc: {  	[smem:$0x3F9D] =	sst s4  }
0xd: {  	[smem:$0x3F9E] =	sst s5  }
0xe: {  	[smem:$0x3F9F] =	sst s6  }
0xf: {  	[smem:$0x3FA0] =	sst s7  }
0x10: {  	[smem:$0x3FA1] =	sst s8  }
0x11: {  	[smem:$0x3FA2] =	sst s9;
	s0 =	simm.s32 @!p0 $0x0  }
0x12: {  	s1 =	sld [smem:$0x3F88];
	s0 =	simm.s32 @p0 $0x1  }
0x13: {  	[smem:$0x3FA3] =	sst s0;
	s0 =	simm.s32 @!p1 $0x0  }
0x14: {  	s2 =	sld [smem:$0x3F87];
	s0 =	simm.s32 @p1 $0x1  }
0x15: {  	[smem:$0x3FA4] =	sst s0;
	s0 =	simm.s32 @!p2 $0x0  }
0x16: {  	s3 =	sld [smem:$0x3FDB];
	s0 =	simm.s32 @p2 $0x1  }
0x17: {  	s4 =	simm.s32 $0x1BF5;
	[smem:$0x3FA6] =	sst s0  }
0x18: {  	s0 =	sld [smem:$0x3F89];
	_ =	swait.ge [sflag:s4], $0x0  }
0x19: {  	s7 =	sld [smem:$0x3F8A]  }
0x1a: {  	s8 =	sadd.s32 $0xFFFFE003, lr  }
0x1b: {  	s9 =	sadd.s32 $0xFFFFFEF7, lr;
	s5 =	simm.s32 $0xFFFFFFFF;
	p2 =	slt.u32 s8, $0xFFFFF086  }
0x1c: {  	p1 =	slt.u32 s9, $0xF7A;
	s5 =	simm.s32 @!p2 $0x0  }
0x1d: {  	s5 =	simm.s32 @p1 $0x1;
	p0 =	seq.s32 s7, s2  }
0x1e: {  	s7 =	smul.u32 @!p0 $0xF7A, s2;
	p2 =	seq.s32 @!p0 s5, $0x0  }
0x1f: {  	s9 =	smul.u32 $0xF7A, s1;
	s8 =	simm.s32 @!p0 $0x1BF5;
	p2 =	por !p2, p0  }
0x20: {  	[sflag:s8] =	ssyncset.s32 @!p0 $0xFFFFF086;
	s6 =	sadd.s32 @!p0 s3, s7;
	s7 =	simm.s32 @!p0 $0x108  }
0x21: {  	s3 =	sadd.s32 s3, s9;
	s6 =	sadd.s32 @!p0 $0x88, s6;
	s7 =	simm.s32 @p2 $0x1082  }
0x22: {  	[simem:s7], [sflag:s8] =	dma.local @!p0 [hbm:s6], $0xF7A  }
0x23: {  	s9 =	sor.u32 $0xD0000000, s2;
	s6 =	simm.s32 $0x108;
	_ =	swait.ge @!p0 [sflag:s8], $0x0  }
0x24: {  	s3 =	sadd.s32 $0x88, s3;
	s6 =	simm.s32 @!p1 $0x1082;
	[sflag:s4] =	ssyncset.s32 $0xFFFFF086  }
0x25: {  	[simem:s6], [sflag:s4] =	dma.local [hbm:s3], $0xF7A  }
0x26: {  	[smem:$0x3F8A] =	sst s1;
	(tag) =	ssettag s2;
	_ =	strace s9  }
0x27: {  	s1 =	sld [smem:$0x3F9A]  }
0x28: {  	s2 =	sld [smem:$0x3F9B]  }
0x29: {  	s4 =	sld [smem:$0x3F9D]  }
0x2a: {  	p0 =	seq.s32 s5, $0x0;
	s5 =	sld [smem:$0x3F9E]  }
0x2b: {  	s6 =	sld [smem:$0x3F9F]  }
0x2c: {  	s7 =	sld [smem:$0x3FA0]  }
0x2d: {  	s3 =	simm.s32 $0x108;
	s8 =	sld [smem:$0x3FA1]  }
0x2e: {  	s3 =	simm.s32 @!p0 $0x1082;
	s9 =	sld [smem:$0x3FA2]  }
0x2f: {  	lr =	sadd.s32 s0, s3;
	s0 =	sld [smem:$0x3F99]  }
0x30: {  	s3 =	sld [smem:$0x3F9C]  }
0x31: {  	[smem:$0x3FA5] =	sst s10  }
0x32: {  	s10 =	sld [smem:$0x3FA3];
	_ =	sdelay $0x3  }
0x33: {  	p0 =	seq.s32 s10, $0x1;
	s10 =	sld [smem:$0x3FA5];
	_ =	sdelay $0x3  }
0x34: {  	[smem:$0x3FA5] =	sst s10  }
0x35: {  	s10 =	sld [smem:$0x3FA4];
	_ =	sdelay $0x3  }
0x36: {  	p1 =	seq.s32 s10, $0x1;
	s10 =	sld [smem:$0x3FA5];
	_ =	sdelay $0x3  }
0x37: {  	[smem:$0x3FA5] =	sst s10  }
0x38: {  	s10 =	sld [smem:$0x3FA6]  }
0x39: {  	_ = 	snop;
	(pc) =	sbr.ind lr, $3  }
0x3a: {  	_ = 	snop  }
0x3b: {  	_ = 	snop  }
0x3c: {  	p2 =	seq.s32 s10, $0x1;
	s10 =	sld [smem:$0x3FA5]  }
0x3d: {  	_ =	shalt  }
0x3e: {  	_ =	shalt  }
0x3f: {  	_ =	shalt  }
0x40: {  	_ =	shalt  }
0x41: {  	_ =	shalt  }
0x42: {  	_ =	shalt  }
0x43: {  	_ =	shalt  }
0x44: {  	_ =	shalt  }
0x45: {  	_ =	shalt  }
0x46: {  	_ =	shalt  }
0x47: {  	_ =	shalt  }
0x48: {  	_ =	shalt  }
0x49: {  	_ =	shalt  }
0x4a: {  	_ =	shalt  }
0x4b: {  	_ =	shalt  }
0x4c: {  	_ =	shalt  }
0x4d: {  	_ =	shalt  }
0x4e: {  	_ =	shalt  }
0x4f: {  	_ =	shalt  }
0x50: {  	_ =	shalt  }
0x51: {  	_ =	shalt  }
0x52: {  	_ =	shalt  }
0x53: {  	_ =	shalt  }
0x54: {  	_ =	shalt  }
0x55: {  	_ =	shalt  }
0x56: {  	_ =	shalt  }
0x57: {  	_ =	shalt  }
0x58: {  	_ =	shalt  }
0x59: {  	_ =	shalt  }
0x5a: {  	_ =	shalt  }
0x5b: {  	_ =	shalt  }
0x5c: {  	_ =	shalt  }
0x5d: {  	_ =	shalt  }
0x5e: {  	_ =	shalt  }
0x5f: {  	_ =	shalt  }
0x60: {  	_ =	shalt  }
0x61: {  	_ =	shalt  }
0x62: {  	_ =	shalt  }
0x63: {  	_ =	shalt  }
0x64: {  	_ =	shalt  }
0x65: {  	_ =	shalt  }
0x66: {  	_ =	shalt  }
0x67: {  	_ =	shalt  }
0x68: {  	_ =	shalt  }
0x69: {  	_ =	shalt  }
0x6a: {  	_ =	shalt  }
0x6b: {  	_ =	shalt  }
0x6c: {  	_ =	shalt  }
0x6d: {  	_ =	shalt  }
0x6e: {  	_ =	shalt  }
0x6f: {  	_ =	shalt  }
0x70: {  	_ =	shalt  }
0x71: {  	_ =	shalt  }
0x72: {  	_ =	shalt  }
0x73: {  	_ =	shalt  }
0x74: {  	_ =	shalt  }
0x75: {  	_ =	shalt  }
0x76: {  	_ =	shalt  }
0x77: {  	_ =	shalt  }
0x78: {  	_ =	shalt  }
0x79: {  	_ =	shalt  }
0x7a: {  	_ =	shalt  }
0x7b: {  	_ =	shalt  }
0x7c: {  	_ =	shalt  }
0x7d: {  	_ =	shalt  }
0x7e: {  	_ =	shalt  }
0x7f: {  	_ =	shalt  }
0x80: {  	_ =	shalt  }
0x81: {  	_ =	shalt  }
0x82: {  	_ =	shalt  }
0x83: {  	_ =	shalt  }
0x84: {  	_ =	shalt  }
0x85: {  	_ =	shalt  }
0x86: {  	_ =	shalt  }
0x87: {  	_ =	shalt  }
.Lfunc_end0:
.L_simem_size_0:
called_computation_lowered:
.L_overlay_start_0:
0x88: {  	s2 =	sld [smem:$0x3FD9]  }
0x89: {  	s3 =	sld [smem:$0x3FFE];
	_ =	sdelay $0x1  }
0x8a: {  	s1 =	srdreg.scid  }
0x8b: {  	s0 =	sand.u32 $0x1, s1  }
0x8c: {  	s16 =	sshll.u32 s0, $0xA;
	s2 =	sadd.s32 s3, s2  }
0x8d: {  	s2 =	sadd.s32 s2, s16  }
0x8e: {  	[smem:$0x3FB1] =	sst s2  }
0x8f: {  	_ = 	snop  }
0x90: {  	(tm) =	ssettm $0x1  }
0x91: {  	s17 =	sld [smem:$0x3FFB];
	_ =	sdelay $0x3  }
0x92: {  	_ =	strace s17  }
0x93: {  	s2 =	sld [smem:$0x3FFC];
	_ =	sdelay $0x3  }
0x94: {  	_ =	strace s2  }
0x95: {  	s2 =	sld [smem:$0x3FFD];
	_ =	sdelay $0x3  }
0x96: {  	_ =	strace s2  }
0x97: {  	_ =	strace $0x8FFFFFFF  }
0x98: {  	s18 =	sld [smem:$0x3FDB];
	_ =	sdelay $0x1  }
0x99: {  	s19 =	simm.s32 $_scs_section_size  }
0x9a: {  	s4 =	simm.s32 $_size__tile_overlayer_lowered;
	s5 =	simm.s32 $_tile_overlayer_lowered  }
0x9b: {  	s22 =	simm.s32 $0x1BFF;
	s21 =	sshll.u32 s5, $0x1;
	s2 =	sadd.s32 s19, s18  }
0x9c: {  	s6 =	simm.s32 $0x0;
	s20 =	sshll.u32 s4, $0x1;
	s4 =	sadd.s32 s21, s2  }
0x9d: {  	[timem:s6], [sflag:s22] =	dma.local [hbm:s4], s20  }
0x9e: {  	_ =	swait.ge [sflag:s22], s20  }
0x9f: {  	s3 =	ssub.s32 $0x0, s20;
	[sflag:s22] =	ssyncset.done $0x0  }
0xa0: {  	[sflag:s22] =	ssyncadd.s32 s3;
	_ =	sdelay $0x1  }
0xa1: {  	s23 =	simm.s32 $0x1B8B  }
0xa2: {  	_ =	swait.ge [sflag:s23], $0x1  }
0xa3: {  	[sflag:s23] =	ssyncset.done $0x0  }
0xa4: {  	s25 =	simm.s32 $0x1B8E;
	s24 =	sld [smem:$0x3FFE];
	[sflag:s23] =	ssyncadd.s32 $0xFFFFFFFF  }
0xa5: {  	s26 =	simm.s32 $execute0_lowered;
	[smem:$0x3FD2] =	sst s25  }
0xa6: {  	s4 =	sshll.u32 s26, $0x1;
	_ =	strace $0x80000046;
	[dreg:$0x1] =	wrdreg $0xFFFFFFFF  }
0xa7: {  	s28 =	simm.s32 $_size_execute0_lowered;
	s2 =	sadd.s32 s2, s4;
	[dreg:$0x0] =	wrdreg $0x0  }
0xa8: {  	s4 =	sshll.u32 s28, $0x1;
	[dreg:$0x2] =	wrdreg s2  }
0xa9: {  	[dreg:$0x3] =	wrdreg s4  }
0xaa: {  	[dreg:$0x4] =	wrdreg $0xC0  }
0xab: {  	_ =	task [dreg:s6], $0x5FFFF  }
0xac: {  	[dreg:$0x1] =	wrdreg $0xFFFFFFFF  }
0xad: {  	[dreg:$0x0] =	wrdreg $0x60  }
0xae: {  	[dreg:$0x2] =	wrdreg s24  }
0xaf: {  	[dreg:$0x3] =	wrdreg $0x9  }
0xb0: {  	_ =	task.clear_ibuf [dreg:s6], $0x4FFFF;
	_ =	strace $0x90000046  }
0xb1: {  	s29 =	simm.s32 $0x9;
	_ =	strace $0x80000048  }
0xb2: {  	_ =	swait.ge [sflag:s29], $0x1  }
0xb3: {  	[sflag:s29] =	ssyncadd.s32 $0xFFFFFFFF  }
0xb4: {  	_ =	strace $0x90000048  }
0xb5: {  	_ =	sfence  }
0xb6: {  	s30 =	sld [smem:$0x0];
	_ =	sdelay $0x2  }
0xb7: {  	s31 =	sshll.u32 s1, $0xD;
	s1 =	sshrl.u32 s1, $0x2  }
0xb8: {  	s3 =	sand.u32 $0x4000, s31;
	s1 =	sadd.s32 s1, s30  }
0xb9: {  	s0 =	sor.u32 s3, s0;
	s1 =	sshll.u32 s1, $0x11  }
0xba: {  	s0 =	sor.u32 s1, s0  }
0xbb: {  	s0 =	sadd.s32 $0x8F2B, s0  }
0xbc: {  	[sflag:s0] =	ssyncadd.remote.s32 $0x1  }
0xbd: {  	_ =	sfence.sel $0xFFFF  }
0xbe: {  	[dreg:$0x0] =	wrdreg $0xFFFFFFFF;
	(pc) =	sbr.abs _section_cstart, $3  }
0xbf: {  	[dreg:$0x1] =	wrdreg $0xFFFFFFFF  }
0xc0: {  	_ =	task.clear_ibuf [dreg:s6], $0x2FFFF;
	_ =	strace $0x9FFFFFFF  }
0xc1: {  	(tm) =	ssettm $0x7FFFFFFF  }
tec
execute0_lowered:
.L_overlay_start_1:
0x0: {  	(tag) =	ssettag $0x1  }
0x1: {  	s1 =	srdreg.scid  }
0x2: {  	s0 =	stileid.u32;
	s5 =	rddreg [dreg:$0x0];
	s6 =	sand.u32 $0x1, s1  }
0x3: {  	s2 =	simm.s32 $0x0;
	s3 =	sshll.u32 s0, $0x3;
	s4 =	sshll.u32 s6, $0x2  }
0x4: {  	s7 =	simm.s32 $0x80;
	[smem:$0x7FF] =	sst s2;
	s3 =	sor.u32 s4, s3  }
0x5: {  	s1 =	rddreg [dreg:$0x1];
	_ =	strace $0x80000047;
	s9 =	sadd.s32 s3, s5  }
0x6: {  	s10 =	ssub.s32 $0x2, s6;
	s3 =	simm.s32 $0x2;
	s4 =	sadd.s32 $0x3400, s9  }
0x7: {  	[tilespmem:s2], [sflag:$0x2] =	stream.linear.gather [hbm4b:s4+s2], $0x20, $0x38;
	[tilespmem:$0x100] =	vst v63  }
0x8: {  	s8 =	simm.s32 $0x1;
	s11 =	sshrl.u32 s10, $0x1;
	_ =	swait.ge [sflag:s3], $0x20  }
0x9: {  	s6 =	simm.s32 $0x20;
	s10 =	ssub.s32 s10, s11;
	[sflag:s3] =	ssyncset.done $0x0  }
0xa: {  	s5 =	sadd.s32 $0x3600, s5;
	s10 =	smax.u32 s10, $0x1;
	[sflag:s3] =	ssyncadd.s32 $0xFFFFFFE0  }
0xb: {  	[tilespmem:s7], [sflag:$0x1] =	stream.indirect.gather [hbm4b:s5+s6], $0x1, s2, s6, $0xb8;
	[tilespmem:$0x100] =	vst v63  }
0xc: {  	p0 =	sne.s32 s10, $0x1;
	_ =	swait.ge [sflag:s8], $0x20  }
.Ltmp0:
0xd: {  	[sflag:s8] =	ssyncset.done $0x0;
	(pc) =	sbr.rel @!p0 .LBB2_2-.Ltmp0, $4  }
0xe: {  	s9 =	sadd.s32 $0x7600, s9;
	[sflag:s8] =	ssyncadd.s32 $0xFFFFFFE0  }
0xf: {  	[hbm4b:s9+s2] =	stream.linear.scatter [tilespmem:s7], [sflag:$0x2], $0x20, $0x38;
	[tilespmem:$0x100] =	vst v63  }
0x10: {  	_ =	swait.ge [sflag:s3], $0x20  }
0x11: {  	s10 =	sadd.s32 $0xFFFFFFFF, s10;
	[sflag:s3] =	ssyncset.done $0x0  }
.LBB2_1:
0x12: {  	p0 =	sne.s32 s10, $0x1;
	s10 =	sadd.s32 $0xFFFFFFFF, s10;
	[sflag:s3] =	ssyncadd.s32 $0xFFFFFFE0  }
0x13: {  	[tilespmem:s2], [sflag:$0x2] =	stream.linear.gather [hbm4b:s4+s2], $0x20, $0x38;
	[tilespmem:$0x100] =	vst v63  }
0x14: {  	_ =	swait.ge [sflag:s3], $0x20  }
0x15: {  	[sflag:s3] =	ssyncset.done $0x0  }
0x16: {  	[sflag:s3] =	ssyncadd.s32 $0xFFFFFFE0  }
0x17: {  	[tilespmem:s7], [sflag:$0x1] =	stream.indirect.gather [hbm4b:s5+s6], $0x1, s2, s6, $0xb8;
	[tilespmem:$0x100] =	vst v63  }
0x18: {  	_ =	swait.ge [sflag:s8], $0x20  }
.Ltmp1:
0x19: {  	[sflag:s8] =	ssyncset.done $0x0;
	(pc) =	sbr.rel @p0 .LBB2_1-.Ltmp1, $4  }
0x1a: {  	[sflag:s8] =	ssyncadd.s32 $0xFFFFFFE0  }
0x1b: {  	[hbm4b:s9+s2] =	stream.linear.scatter [tilespmem:s7], [sflag:$0x2], $0x20, $0x38;
	[tilespmem:$0x100] =	vst v63  }
0x1c: {  	_ =	swait.ge [sflag:s3], $0x20  }
0x1d: {  	[sflag:s3] =	ssyncset.done $0x0  }
.LBB2_2:
0x1e: {  	[sflag:s3] =	ssyncadd.s32 $0xFFFFFFE0  }
0x1f: {  	_ =	sfence.sel $0x180000  }
0x20: {  	[bflag:$0x0] =	sbarrier.arrive $0xFFFF  }
0x21: {  	p0 =	sne.s32 s0, $0x0;
	_ =	strace $0x90000047  }
0x22: {  	s0 =	sadd.s32 @!p0 $0x100000, s1;
	[bflag:$0x2] =	sbarrier.arrive $0xFFFF  }
0x23: {  	[sflag:s0] =	ssyncadd.tile.s32 @!p0 $0x1;
	_ =	shalt  }
.Lfunc_end2:
_tile_overlayer_lowered:
.L_overlay_start_2:
0x24: {  	(tag) =	ssettag $0x2  }
0x25: {  	s0 =	rddreg [dreg:$0x0];
	s2 =	stileid.u32  }
0x26: {  	s1 =	rddreg [dreg:$0x1];
	p0 =	sne.s32 s2, $0x0  }
0x27: {  	s3 =	rddreg [dreg:$0x2];
	[bflag:$0x3] =	sbarrier.arrive $0xFFFF;
	s2 =	simm.s32 @!p0 $0x1C02  }
0x28: {  	[timem:s3], [sflag:s2] =	dma.local @!p0 [hbm:s0], s1  }
0x29: {  	s0 =	simm.s32 @!p0 $0x2  }
0x2a: {  	_ =	swait.ge @!p0 [sflag:s0], s1  }
0x2b: {  	s1 =	ssub.s32 @!p0 $0x0, s1;
	[sflag:s0] =	ssyncset.done @!p0 $0x0  }
0x2c: {  	[sflag:s0] =	ssyncadd.s32 @!p0 s1  }
0x2d: {  	[bflag:$0x3] =	sbarrier.arrive $0xFFFF  }
0x2e: {  	_ =	shalt  }

</sc_bundles>
